<compile_context>
chip_gen: v7x
topology: tpu7x:2x2x1
jax: 0.10.2.dev20260603
libtpu: 0.0.44.dev20260713+nightly
codegen_flags: <defaults>
</compile_context>

<pallas_src>
import functools

import jax
import jax.numpy as jnp
from jax import lax
from jax.experimental import pallas as pl
from jax.experimental.pallas import tpu as pltpu
from jax.experimental.pallas import tpu_sc as plsc

B, L, T = 1024, 200, 201
DOM_D, FEAT_D, D = 96, 32, 128
TABLE_ROWS = 5162

NC, NS, LANES = 2, 16, 16
NW = NC * NS
RPW = B // NW
IDX_CHUNK = 112
NPAD = 2 * IDX_CHUNK


def _sc_body(x_hbm, tab_hbm, w_hbm, bias_hbm, cls_hbm, out_hbm,
             xv, idxv, rowsv, featv, wv, biasv, clsv, sem):
    wid = lax.axis_index("s") * NC + lax.axis_index("c")

    pltpu.sync_copy(w_hbm, wv)
    pltpu.sync_copy(bias_hbm, biasv)
    pltpu.sync_copy(cls_hbm, clsv)

    w00 = wv[0, pl.ds(0, 16)]
    w01 = wv[0, pl.ds(16, 16)]
    w10 = wv[1, pl.ds(0, 16)]
    w11 = wv[1, pl.ds(16, 16)]
    w20 = wv[2, pl.ds(0, 16)]
    w21 = wv[2, pl.ds(16, 16)]
    b0 = biasv[pl.ds(0, 16)]
    b1 = biasv[pl.ds(16, 16)]

    lane4 = lax.iota(jnp.int32, 16) * 4 + 3

    def row_body(i, carry):
        bi = wid * RPW + i
        pltpu.sync_copy(x_hbm.at[bi], xv.at[pl.ds(0, L * 4)])

        for c in range(NPAD // 16):
            fidx = plsc.load_gather(xv, [lane4 + c * 64])
            ivec = jnp.clip(fidx.astype(jnp.int32), 0, TABLE_ROWS - 1)
            j, col = (16 * c) // IDX_CHUNK, (16 * c) % IDX_CHUNK
            idxv[j, pl.ds(col, 16)] = ivec

        cp0 = pltpu.async_copy(
            tab_hbm.at[idxv.at[0]], rowsv.at[pl.ds(0, IDX_CHUNK)], sem)
        cp1 = pltpu.async_copy(
            tab_hbm.at[idxv.at[1]], rowsv.at[pl.ds(IDX_CHUNK, IDX_CHUNK)], sem)

        def tok_body(t, carry2):
            v = xv[pl.ds(4 * t, 16)]
            s0, s1, s2 = v[0], v[1], v[2]
            featv[t, pl.ds(0, 16)] = s0 * w00 + s1 * w10 + s2 * w20 + b0
            featv[t, pl.ds(16, 16)] = s0 * w01 + s1 * w11 + s2 * w21 + b1
            return carry2

        lax.fori_loop(0, L, tok_body, 0)
        cp0.wait()
        cp1.wait()

        pltpu.sync_copy(clsv, out_hbm.at[bi, 0])
        pltpu.sync_copy(rowsv.at[pl.ds(0, L)],
                        out_hbm.at[bi, pl.ds(1, L), pl.ds(0, DOM_D)])
        pltpu.sync_copy(featv,
                        out_hbm.at[bi, pl.ds(1, L), pl.ds(DOM_D, FEAT_D)])
        return carry

    lax.fori_loop(0, RPW, row_body, 0)


def _mask_body(l_ref, o_ref):
    t = lax.broadcasted_iota(jnp.int32, (B, T), 1)
    lb = l_ref[:]
    o_ref[:] = (t > lb) & (t != 0)


@jax.jit
def kernel(x, l, dom_table, W, b, cls):
    xf = x.reshape(B, L * 4)
    cls_flat = cls.reshape(D)
    l2 = l.astype(jnp.int32).reshape(B, 1)

    mesh = plsc.VectorSubcoreMesh(
        core_axis_name="c", subcore_axis_name="s",
        num_cores=NC, num_subcores=NS)

    sc_fn = pl.kernel(
        _sc_body,
        out_type=jax.ShapeDtypeStruct((B, T, D), jnp.float32),
        mesh=mesh,
        scratch_types=[
            pltpu.VMEM((NPAD * 4,), jnp.float32),
            pltpu.VMEM((2, IDX_CHUNK), jnp.int32),
            pltpu.VMEM((NPAD, DOM_D), jnp.float32),
            pltpu.VMEM((L, FEAT_D), jnp.float32),
            pltpu.VMEM((3, FEAT_D), jnp.float32),
            pltpu.VMEM((FEAT_D,), jnp.float32),
            pltpu.VMEM((D,), jnp.float32),
            pltpu.SemaphoreType.DMA,
        ],
        compiler_params=pltpu.CompilerParams(
            use_tc_tiling_on_sc=False, needs_layout_passes=False),
    )
    full_embedding = sc_fn(xf, dom_table, W, b, cls_flat)

    padding_mask = pl.pallas_call(
        _mask_body,
        out_shape=jax.ShapeDtypeStruct((B, T), jnp.bool_),
    )(l2)

    return (full_embedding, padding_mask)

# --- scband reference (transcript-rebuilt; emitter-appended) ---
"""Pipeline reference for scband-ice-cube-embedding-90409061581407 (READ-ONLY COPY).

The authoritative reference and input builder live on the scoring server;
editing this copy changes nothing except your own understanding.
"""

import jax, jax.numpy as jnp
import numpy as np

B, L = 1024, 200
EMBED_DIM, DOM_EMBED_DIM = 128, 96
NUM_DOMS = 5160


def setup_inputs(seed: int = 0) -> dict:
    key = jax.random.key(seed)
    ks = jax.random.split(key, 6)
    # x: [B, L, 4]; first 3 channels are continuous features, last channel is the DOM id
    # (cast to long inside forward). Uniform [0,1) floors to index 0, which is in-range
    # for the (NUM_DOMS + 2)-row table (0 is the padding index).
    x = jax.random.uniform(ks[0], (B, L, 4), dtype=jnp.float32)
    l = jax.random.randint(ks[1], (B,), 0, L)
    dom_table = jax.random.normal(ks[2], (NUM_DOMS + 2, DOM_EMBED_DIM), dtype=jnp.float32)
    W = jax.random.normal(ks[3], (3, EMBED_DIM - DOM_EMBED_DIM), dtype=jnp.float32) * 0.05
    b = jnp.zeros((EMBED_DIM - DOM_EMBED_DIM,), dtype=jnp.float32)
    cls = jax.random.normal(ks[4], (1, 1, EMBED_DIM), dtype=jnp.float32)
    return {"x": x, "l": l, "dom_table": dom_table, "W": W, "b": b, "cls": cls}


def reference(x, l, dom_table, W, b, cls):
    # masking=False path of IceCubeEmbedding.forward
    Bb, Ll, _ = x.shape
    padding_mask = jnp.arange(Ll)[None, :] >= l[:, None]
    dom_idx = x[:, :, -1].astype(jnp.int32)
    dom_embeds = jnp.take(dom_table, dom_idx, axis=0)          # [B, L, dom_embed_dim]
    other_features = x[:, :, :3]
    features_embeds = other_features @ W + b                   # [B, L, embed - dom_embed]
    combined = jnp.concatenate([dom_embeds, features_embeds], axis=2)
    cls_exp = jnp.broadcast_to(cls, (Bb, 1, cls.shape[-1]))
    full_embedding = jnp.concatenate([cls_exp, combined], axis=1)  # [B, L+1, embed]
    padding_mask = jnp.concatenate(
        [jnp.zeros((Bb, 1), dtype=bool), padding_mask], axis=1)    # [B, L+1]
    return (full_embedding, padding_mask)

if __name__ == "__main__":
    import jax
    _d = setup_inputs()
    print(jax.jit(kernel)(*tuple(_d.values())))

</pallas_src>

<mosaic_0001>
#map = affine_map<(d0, d1) -> (0, 0)>
#map1 = affine_map<(d0, d1) -> (0)>
#map2 = affine_map<(d0, d1) -> (0, 0, 0)>
module attributes {stable_mosaic.version = 14 : i64} {
  func.func @_sc_body(%arg0: i32, %arg1: i32, %arg2: memref<1024x800xf32, #tpu.memory_space<hbm>>, %arg3: memref<5162x96xf32, #tpu.memory_space<hbm>>, %arg4: memref<3x32xf32, #tpu.memory_space<hbm>>, %arg5: memref<32xf32, #tpu.memory_space<hbm>>, %arg6: memref<128xf32, #tpu.memory_space<hbm>>, %arg7: memref<1024x201x128xf32, #tpu.memory_space<hbm>>, %arg8: memref<896xf32, #tpu.memory_space<vmem>>, %arg9: memref<2x112xi32, #tpu.memory_space<vmem>>, %arg10: memref<224x96xf32, #tpu.memory_space<vmem>>, %arg11: memref<200x32xf32, #tpu.memory_space<vmem>>, %arg12: memref<3x32xf32, #tpu.memory_space<vmem>>, %arg13: memref<32xf32, #tpu.memory_space<vmem>>, %arg14: memref<128xf32, #tpu.memory_space<vmem>>, %arg15: memref<!tpu.dma_semaphore, #tpu.memory_space<semaphore_mem>>) attributes {dimension_semantics = [#tpu.dimension_semantics<core_parallel>, #tpu.dimension_semantics<subcore_parallel>], iteration_bounds = array<i64: 2, 16>, scalar_prefetch = 0 : i64, scratch_operands = 8 : i64, tpu.core_type = #tpu.core_type<sc_vector_subcore>, window_params = [{transform_indices = #map}, {transform_indices = #map}, {transform_indices = #map}, {transform_indices = #map1}, {transform_indices = #map1}, {transform_indices = #map2}]} {
    %mul3A = arith.constant 2 : i32
    %mul3A_0 = arith.muli %arg1, %mul3A : i32
    %add3A = arith.addi %mul3A_0, %arg0 : i32
    "tpu.region"() ({
      %run_scoped3A = tpu.sem_alloc : memref<!tpu.dma_semaphore, #tpu.memory_space<semaphore_mem>>
      tpu.enqueue_dma source(%arg4 : memref<3x32xf32, #tpu.memory_space<hbm>>) target(%arg12 : memref<3x32xf32, #tpu.memory_space<vmem>>) target_semaphore(%run_scoped3A : memref<!tpu.dma_semaphore, #tpu.memory_space<semaphore_mem>>)
      tpu.wait_dma2 semaphore(%run_scoped3A : memref<!tpu.dma_semaphore, #tpu.memory_space<semaphore_mem>>) src(%arg4 : memref<3x32xf32, #tpu.memory_space<hbm>>) dst(%arg12 : memref<3x32xf32, #tpu.memory_space<vmem>>)
      tpu.yield
    }) : () -> ()
    "tpu.region"() ({
      %run_scoped3A = tpu.sem_alloc : memref<!tpu.dma_semaphore, #tpu.memory_space<semaphore_mem>>
      tpu.enqueue_dma source(%arg5 : memref<32xf32, #tpu.memory_space<hbm>>) target(%arg13 : memref<32xf32, #tpu.memory_space<vmem>>) target_semaphore(%run_scoped3A : memref<!tpu.dma_semaphore, #tpu.memory_space<semaphore_mem>>)
      tpu.wait_dma2 semaphore(%run_scoped3A : memref<!tpu.dma_semaphore, #tpu.memory_space<semaphore_mem>>) src(%arg5 : memref<32xf32, #tpu.memory_space<hbm>>) dst(%arg13 : memref<32xf32, #tpu.memory_space<vmem>>)
      tpu.yield
    }) : () -> ()
    "tpu.region"() ({
      %run_scoped3A = tpu.sem_alloc : memref<!tpu.dma_semaphore, #tpu.memory_space<semaphore_mem>>
      tpu.enqueue_dma source(%arg6 : memref<128xf32, #tpu.memory_space<hbm>>) target(%arg14 : memref<128xf32, #tpu.memory_space<vmem>>) target_semaphore(%run_scoped3A : memref<!tpu.dma_semaphore, #tpu.memory_space<semaphore_mem>>)
      tpu.wait_dma2 semaphore(%run_scoped3A : memref<!tpu.dma_semaphore, #tpu.memory_space<semaphore_mem>>) src(%arg6 : memref<128xf32, #tpu.memory_space<hbm>>) dst(%arg14 : memref<128xf32, #tpu.memory_space<vmem>>)
      tpu.yield
    }) : () -> ()
    %get3A = arith.constant 0 : i32
    %get3A_1 = arith.index_cast %get3A : i32 to index
    %get3A_2 = arith.constant 0 : index
    %get3A_3 = tpu.vector_load %arg12[%get3A_1, %get3A_2] {strides = array<i32>} : memref<3x32xf32, #tpu.memory_space<vmem>>, vector<16xf32>,
    %get3A_4 = arith.constant 0 : i32
    %get3A_5 = arith.index_cast %get3A_4 : i32 to index
    %get3A_6 = arith.constant 16 : index
    %get3A_7 = tpu.vector_load %arg12[%get3A_5, %get3A_6] {strides = array<i32>} : memref<3x32xf32, #tpu.memory_space<vmem>>, vector<16xf32>,
    %get3A_8 = arith.constant 1 : i32
    %get3A_9 = arith.index_cast %get3A_8 : i32 to index
    %get3A_10 = arith.constant 0 : index
    %get3A_11 = tpu.vector_load %arg12[%get3A_9, %get3A_10] {strides = array<i32>} : memref<3x32xf32, #tpu.memory_space<vmem>>, vector<16xf32>,
    %get3A_12 = arith.constant 1 : i32
    %get3A_13 = arith.index_cast %get3A_12 : i32 to index
    %get3A_14 = arith.constant 16 : index
    %get3A_15 = tpu.vector_load %arg12[%get3A_13, %get3A_14] {strides = array<i32>} : memref<3x32xf32, #tpu.memory_space<vmem>>, vector<16xf32>,
    %get3A_16 = arith.constant 2 : i32
    %get3A_17 = arith.index_cast %get3A_16 : i32 to index
    %get3A_18 = arith.constant 0 : index
    %get3A_19 = tpu.vector_load %arg12[%get3A_17, %get3A_18] {strides = array<i32>} : memref<3x32xf32, #tpu.memory_space<vmem>>, vector<16xf32>,
    %get3A_20 = arith.constant 2 : i32
    %get3A_21 = arith.index_cast %get3A_20 : i32 to index
    %get3A_22 = arith.constant 16 : index
    %get3A_23 = tpu.vector_load %arg12[%get3A_21, %get3A_22] {strides = array<i32>} : memref<3x32xf32, #tpu.memory_space<vmem>>, vector<16xf32>,
    %get3A_24 = arith.constant 0 : index
    %get3A_25 = tpu.vector_load %arg13[%get3A_24] {strides = array<i32>} : memref<32xf32, #tpu.memory_space<vmem>>, vector<16xf32>,
    %get3A_26 = arith.constant 16 : index
    %get3A_27 = tpu.vector_load %arg13[%get3A_26] {strides = array<i32>} : memref<32xf32, #tpu.memory_space<vmem>>, vector<16xf32>,
    %iota3A = tpu.iota {dimensions = array<i32: 0>} : vector<16xi32>
    %mul3A_28 = arith.constant 4 : i32
    %mul3A_29 = vector.broadcast %mul3A_28 : i32 to vector<16xi32>
    %mul3A_30 = arith.muli %iota3A, %mul3A_29 : vector<16xi32>
    %add3A_31 = arith.constant 3 : i32
    %add3A_32 = vector.broadcast %add3A_31 : i32 to vector<16xi32>
    %add3A_33 = arith.addi %mul3A_30, %add3A_32 : vector<16xi32>
    %scan3A = arith.constant 0 : i32
    %scan3A_34 = arith.constant 0 : i32
    %scan3A_35 = arith.constant 32 : i32
    %scan3A_36 = arith.addi %scan3A_34, %scan3A_35 : i32
    %scan3A_37 = arith.constant 1 : i32
    scf.for %scan3A_39 = %scan3A_34 to %scan3A_36 step %scan3A_37  : i32 {
      %mul3A_40 = arith.constant 32 : i32
      %mul3A_41 = arith.muli %add3A, %mul3A_40 : i32
      %add3A_42 = arith.addi %mul3A_41, %scan3A_39 : i32
      "tpu.region"() ({
        %run_scoped3A_291 = tpu.sem_alloc : memref<!tpu.dma_semaphore, #tpu.memory_space<semaphore_mem>>
        %dma_start3A_292 = arith.constant 0 : i32
        %dma_start3A_293 = tpu.memref_slice %arg8[%dma_start3A_292] : memref<896xf32, #tpu.memory_space<vmem>> -> memref<800xf32, #tpu.memory_space<vmem>>
        %dma_start3A_294 = arith.constant 0 : i32
        %dma_start3A_295 = tpu.memref_slice %arg2[%add3A_42, %dma_start3A_294] : memref<1024x800xf32, #tpu.memory_space<hbm>> -> memref<1x800xf32, #tpu.memory_space<hbm>>
        %dma_start3A_296 = tpu.memref_squeeze %dma_start3A_295 : memref<1x800xf32, #tpu.memory_space<hbm>> -> memref<800xf32, #tpu.memory_space<hbm>>
        %dma_start3A_297 = arith.constant 0 : i32
        %dma_start3A_298 = tpu.memref_slice %arg8[%dma_start3A_297] : memref<896xf32, #tpu.memory_space<vmem>> -> memref<800xf32, #tpu.memory_space<vmem>>
        %dma_start3A_299 = arith.constant 0 : i32
        %dma_start3A_300 = tpu.memref_slice %arg2[%add3A_42, %dma_start3A_299] : memref<1024x800xf32, #tpu.memory_space<hbm>> -> memref<1x800xf32, #tpu.memory_space<hbm>>
        %dma_start3A_301 = tpu.memref_squeeze %dma_start3A_300 : memref<1x800xf32, #tpu.memory_space<hbm>> -> memref<800xf32, #tpu.memory_space<hbm>>
        tpu.enqueue_dma source(%dma_start3A_301 : memref<800xf32, #tpu.memory_space<hbm>>) target(%dma_start3A_298 : memref<800xf32, #tpu.memory_space<vmem>>) target_semaphore(%run_scoped3A_291 : memref<!tpu.dma_semaphore, #tpu.memory_space<semaphore_mem>>)
        %dma_wait3A_302 = arith.constant 0 : i32
        %dma_wait3A_303 = tpu.memref_slice %arg8[%dma_wait3A_302] : memref<896xf32, #tpu.memory_space<vmem>> -> memref<800xf32, #tpu.memory_space<vmem>>
        %dma_wait3A_304 = arith.constant 0 : i32
        %dma_wait3A_305 = tpu.memref_slice %arg2[%add3A_42, %dma_wait3A_304] : memref<1024x800xf32, #tpu.memory_space<hbm>> -> memref<1x800xf32, #tpu.memory_space<hbm>>
        %dma_wait3A_306 = tpu.memref_squeeze %dma_wait3A_305 : memref<1x800xf32, #tpu.memory_space<hbm>> -> memref<800xf32, #tpu.memory_space<hbm>>
        %dma_wait3A_307 = arith.constant 0 : i32
        %dma_wait3A_308 = tpu.memref_slice %arg8[%dma_wait3A_307] : memref<896xf32, #tpu.memory_space<vmem>> -> memref<800xf32, #tpu.memory_space<vmem>>
        %dma_wait3A_309 = arith.constant 0 : i32
        %dma_wait3A_310 = tpu.memref_slice %arg2[%add3A_42, %dma_wait3A_309] : memref<1024x800xf32, #tpu.memory_space<hbm>> -> memref<1x800xf32, #tpu.memory_space<hbm>>
        %dma_wait3A_311 = tpu.memref_squeeze %dma_wait3A_310 : memref<1x800xf32, #tpu.memory_space<hbm>> -> memref<800xf32, #tpu.memory_space<hbm>>
        tpu.wait_dma2 semaphore(%run_scoped3A_291 : memref<!tpu.dma_semaphore, #tpu.memory_space<semaphore_mem>>) src(%dma_wait3A_311 : memref<800xf32, #tpu.memory_space<hbm>>) dst(%dma_wait3A_308 : memref<800xf32, #tpu.memory_space<vmem>>)
        tpu.yield
      }) : () -> ()
      %add3A_43 = arith.constant 0 : i32
      %add3A_44 = vector.broadcast %add3A_43 : i32 to vector<16xi32>
      %add3A_45 = arith.addi %add3A_33, %add3A_44 : vector<16xi32>
      %gather3A = tpu.vector_load_idx %arg8[%add3A_45] : memref<896xf32, #tpu.memory_space<vmem>>[vector<16xi32>], vector<16xf32>,
      %convert_element_type3A = arith.fptosi %gather3A : vector<16xf32> to vector<16xi32>
      %jit3A = arith.constant 0 : i32
      %jit3A_46 = arith.constant 5161 : i32
      %max3A = vector.broadcast %jit3A : i32 to vector<16xi32>
      %max3A_47 = arith.maxsi %max3A, %convert_element_type3A : vector<16xi32>
      %min3A = vector.broadcast %jit3A_46 : i32 to vector<16xi32>
      %min3A_48 = arith.minsi %min3A, %max3A_47 : vector<16xi32>
      %swap3A = arith.constant 0 : i32
      %swap3A_49 = arith.index_cast %swap3A : i32 to index
      %swap3A_50 = arith.constant 0 : index
      %swap3A_51 = tpu.vector_load %arg9[%swap3A_49, %swap3A_50] {strides = array<i32>} : memref<2x112xi32, #tpu.memory_space<vmem>>, vector<16xi32>,
      tpu.vector_store %arg9[%swap3A_49, %swap3A_50], %min3A_48 {strides = array<i32>} : memref<2x112xi32, #tpu.memory_space<vmem>>, vector<16xi32>,
      %add3A_52 = arith.constant 64 : i32
      %add3A_53 = vector.broadcast %add3A_52 : i32 to vector<16xi32>
      %add3A_54 = arith.addi %add3A_33, %add3A_53 : vector<16xi32>
      %gather3A_55 = tpu.vector_load_idx %arg8[%add3A_54] : memref<896xf32, #tpu.memory_space<vmem>>[vector<16xi32>], vector<16xf32>,
      %convert_element_type3A_56 = arith.fptosi %gather3A_55 : vector<16xf32> to vector<16xi32>
      %jit3A_57 = arith.constant 0 : i32
      %jit3A_58 = arith.constant 5161 : i32
      %max3A_59 = vector.broadcast %jit3A_57 : i32 to vector<16xi32>
      %max3A_60 = arith.maxsi %max3A_59, %convert_element_type3A_56 : vector<16xi32>
      %min3A_61 = vector.broadcast %jit3A_58 : i32 to vector<16xi32>
      %min3A_62 = arith.minsi %min3A_61, %max3A_60 : vector<16xi32>
      %swap3A_63 = arith.constant 0 : i32
      %swap3A_64 = arith.index_cast %swap3A_63 : i32 to index
      %swap3A_65 = arith.constant 16 : index
      %swap3A_66 = tpu.vector_load %arg9[%swap3A_64, %swap3A_65] {strides = array<i32>} : memref<2x112xi32, #tpu.memory_space<vmem>>, vector<16xi32>,
      tpu.vector_store %arg9[%swap3A_64, %swap3A_65], %min3A_62 {strides = array<i32>} : memref<2x112xi32, #tpu.memory_space<vmem>>, vector<16xi32>,
      %add3A_67 = arith.constant 128 : i32
      %add3A_68 = vector.broadcast %add3A_67 : i32 to vector<16xi32>
      %add3A_69 = arith.addi %add3A_33, %add3A_68 : vector<16xi32>
      %gather3A_70 = tpu.vector_load_idx %arg8[%add3A_69] : memref<896xf32, #tpu.memory_space<vmem>>[vector<16xi32>], vector<16xf32>,
      %convert_element_type3A_71 = arith.fptosi %gather3A_70 : vector<16xf32> to vector<16xi32>
      %jit3A_72 = arith.constant 0 : i32
      %jit3A_73 = arith.constant 5161 : i32
      %max3A_74 = vector.broadcast %jit3A_72 : i32 to vector<16xi32>
      %max3A_75 = arith.maxsi %max3A_74, %convert_element_type3A_71 : vector<16xi32>
      %min3A_76 = vector.broadcast %jit3A_73 : i32 to vector<16xi32>
      %min3A_77 = arith.minsi %min3A_76, %max3A_75 : vector<16xi32>
      %swap3A_78 = arith.constant 0 : i32
      %swap3A_79 = arith.index_cast %swap3A_78 : i32 to index
      %swap3A_80 = arith.constant 32 : index
      %swap3A_81 = tpu.vector_load %arg9[%swap3A_79, %swap3A_80] {strides = array<i32>} : memref<2x112xi32, #tpu.memory_space<vmem>>, vector<16xi32>,
      tpu.vector_store %arg9[%swap3A_79, %swap3A_80], %min3A_77 {strides = array<i32>} : memref<2x112xi32, #tpu.memory_space<vmem>>, vector<16xi32>,
      %add3A_82 = arith.constant 192 : i32
      %add3A_83 = vector.broadcast %add3A_82 : i32 to vector<16xi32>
      %add3A_84 = arith.addi %add3A_33, %add3A_83 : vector<16xi32>
      %gather3A_85 = tpu.vector_load_idx %arg8[%add3A_84] : memref<896xf32, #tpu.memory_space<vmem>>[vector<16xi32>], vector<16xf32>,
      %convert_element_type3A_86 = arith.fptosi %gather3A_85 : vector<16xf32> to vector<16xi32>
      %jit3A_87 = arith.constant 0 : i32
      %jit3A_88 = arith.constant 5161 : i32
      %max3A_89 = vector.broadcast %jit3A_87 : i32 to vector<16xi32>
      %max3A_90 = arith.maxsi %max3A_89, %convert_element_type3A_86 : vector<16xi32>
      %min3A_91 = vector.broadcast %jit3A_88 : i32 to vector<16xi32>
      %min3A_92 = arith.minsi %min3A_91, %max3A_90 : vector<16xi32>
      %swap3A_93 = arith.constant 0 : i32
      %swap3A_94 = arith.index_cast %swap3A_93 : i32 to index
      %swap3A_95 = arith.constant 48 : index
      %swap3A_96 = tpu.vector_load %arg9[%swap3A_94, %swap3A_95] {strides = array<i32>} : memref<2x112xi32, #tpu.memory_space<vmem>>, vector<16xi32>,
      tpu.vector_store %arg9[%swap3A_94, %swap3A_95], %min3A_92 {strides = array<i32>} : memref<2x112xi32, #tpu.memory_space<vmem>>, vector<16xi32>,
      %add3A_97 = arith.constant 256 : i32
      %add3A_98 = vector.broadcast %add3A_97 : i32 to vector<16xi32>
      %add3A_99 = arith.addi %add3A_33, %add3A_98 : vector<16xi32>
      %gather3A_100 = tpu.vector_load_idx %arg8[%add3A_99] : memref<896xf32, #tpu.memory_space<vmem>>[vector<16xi32>], vector<16xf32>,
      %convert_element_type3A_101 = arith.fptosi %gather3A_100 : vector<16xf32> to vector<16xi32>
      %jit3A_102 = arith.constant 0 : i32
      %jit3A_103 = arith.constant 5161 : i32
      %max3A_104 = vector.broadcast %jit3A_102 : i32 to vector<16xi32>
      %max3A_105 = arith.maxsi %max3A_104, %convert_element_type3A_101 : vector<16xi32>
      %min3A_106 = vector.broadcast %jit3A_103 : i32 to vector<16xi32>
      %min3A_107 = arith.minsi %min3A_106, %max3A_105 : vector<16xi32>
      %swap3A_108 = arith.constant 0 : i32
      %swap3A_109 = arith.index_cast %swap3A_108 : i32 to index
      %swap3A_110 = arith.constant 64 : index
      %swap3A_111 = tpu.vector_load %arg9[%swap3A_109, %swap3A_110] {strides = array<i32>} : memref<2x112xi32, #tpu.memory_space<vmem>>, vector<16xi32>,
      tpu.vector_store %arg9[%swap3A_109, %swap3A_110], %min3A_107 {strides = array<i32>} : memref<2x112xi32, #tpu.memory_space<vmem>>, vector<16xi32>,
      %add3A_112 = arith.constant 320 : i32
      %add3A_113 = vector.broadcast %add3A_112 : i32 to vector<16xi32>
      %add3A_114 = arith.addi %add3A_33, %add3A_113 : vector<16xi32>
      %gather3A_115 = tpu.vector_load_idx %arg8[%add3A_114] : memref<896xf32, #tpu.memory_space<vmem>>[vector<16xi32>], vector<16xf32>,
      %convert_element_type3A_116 = arith.fptosi %gather3A_115 : vector<16xf32> to vector<16xi32>
      %jit3A_117 = arith.constant 0 : i32
      %jit3A_118 = arith.constant 5161 : i32
      %max3A_119 = vector.broadcast %jit3A_117 : i32 to vector<16xi32>
      %max3A_120 = arith.maxsi %max3A_119, %convert_element_type3A_116 : vector<16xi32>
      %min3A_121 = vector.broadcast %jit3A_118 : i32 to vector<16xi32>
      %min3A_122 = arith.minsi %min3A_121, %max3A_120 : vector<16xi32>
      %swap3A_123 = arith.constant 0 : i32
      %swap3A_124 = arith.index_cast %swap3A_123 : i32 to index
      %swap3A_125 = arith.constant 80 : index
      %swap3A_126 = tpu.vector_load %arg9[%swap3A_124, %swap3A_125] {strides = array<i32>} : memref<2x112xi32, #tpu.memory_space<vmem>>, vector<16xi32>,
      tpu.vector_store %arg9[%swap3A_124, %swap3A_125], %min3A_122 {strides = array<i32>} : memref<2x112xi32, #tpu.memory_space<vmem>>, vector<16xi32>,
      %add3A_127 = arith.constant 384 : i32
      %add3A_128 = vector.broadcast %add3A_127 : i32 to vector<16xi32>
      %add3A_129 = arith.addi %add3A_33, %add3A_128 : vector<16xi32>
      %gather3A_130 = tpu.vector_load_idx %arg8[%add3A_129] : memref<896xf32, #tpu.memory_space<vmem>>[vector<16xi32>], vector<16xf32>,
      %convert_element_type3A_131 = arith.fptosi %gather3A_130 : vector<16xf32> to vector<16xi32>
      %jit3A_132 = arith.constant 0 : i32
      %jit3A_133 = arith.constant 5161 : i32
      %max3A_134 = vector.broadcast %jit3A_132 : i32 to vector<16xi32>
      %max3A_135 = arith.maxsi %max3A_134, %convert_element_type3A_131 : vector<16xi32>
      %min3A_136 = vector.broadcast %jit3A_133 : i32 to vector<16xi32>
      %min3A_137 = arith.minsi %min3A_136, %max3A_135 : vector<16xi32>
      %swap3A_138 = arith.constant 0 : i32
      %swap3A_139 = arith.index_cast %swap3A_138 : i32 to index
      %swap3A_140 = arith.constant 96 : index
      %swap3A_141 = tpu.vector_load %arg9[%swap3A_139, %swap3A_140] {strides = array<i32>} : memref<2x112xi32, #tpu.memory_space<vmem>>, vector<16xi32>,
      tpu.vector_store %arg9[%swap3A_139, %swap3A_140], %min3A_137 {strides = array<i32>} : memref<2x112xi32, #tpu.memory_space<vmem>>, vector<16xi32>,
      %add3A_142 = arith.constant 448 : i32
      %add3A_143 = vector.broadcast %add3A_142 : i32 to vector<16xi32>
      %add3A_144 = arith.addi %add3A_33, %add3A_143 : vector<16xi32>
      %gather3A_145 = tpu.vector_load_idx %arg8[%add3A_144] : memref<896xf32, #tpu.memory_space<vmem>>[vector<16xi32>], vector<16xf32>,
      %convert_element_type3A_146 = arith.fptosi %gather3A_145 : vector<16xf32> to vector<16xi32>
      %jit3A_147 = arith.constant 0 : i32
      %jit3A_148 = arith.constant 5161 : i32
      %max3A_149 = vector.broadcast %jit3A_147 : i32 to vector<16xi32>
      %max3A_150 = arith.maxsi %max3A_149, %convert_element_type3A_146 : vector<16xi32>
      %min3A_151 = vector.broadcast %jit3A_148 : i32 to vector<16xi32>
      %min3A_152 = arith.minsi %min3A_151, %max3A_150 : vector<16xi32>
      %swap3A_153 = arith.constant 1 : i32
      %swap3A_154 = arith.index_cast %swap3A_153 : i32 to index
      %swap3A_155 = arith.constant 0 : index
      %swap3A_156 = tpu.vector_load %arg9[%swap3A_154, %swap3A_155] {strides = array<i32>} : memref<2x112xi32, #tpu.memory_space<vmem>>, vector<16xi32>,
      tpu.vector_store %arg9[%swap3A_154, %swap3A_155], %min3A_152 {strides = array<i32>} : memref<2x112xi32, #tpu.memory_space<vmem>>, vector<16xi32>,
      %add3A_157 = arith.constant 512 : i32
      %add3A_158 = vector.broadcast %add3A_157 : i32 to vector<16xi32>
      %add3A_159 = arith.addi %add3A_33, %add3A_158 : vector<16xi32>
      %gather3A_160 = tpu.vector_load_idx %arg8[%add3A_159] : memref<896xf32, #tpu.memory_space<vmem>>[vector<16xi32>], vector<16xf32>,
      %convert_element_type3A_161 = arith.fptosi %gather3A_160 : vector<16xf32> to vector<16xi32>
      %jit3A_162 = arith.constant 0 : i32
      %jit3A_163 = arith.constant 5161 : i32
      %max3A_164 = vector.broadcast %jit3A_162 : i32 to vector<16xi32>
      %max3A_165 = arith.maxsi %max3A_164, %convert_element_type3A_161 : vector<16xi32>
      %min3A_166 = vector.broadcast %jit3A_163 : i32 to vector<16xi32>
      %min3A_167 = arith.minsi %min3A_166, %max3A_165 : vector<16xi32>
      %swap3A_168 = arith.constant 1 : i32
      %swap3A_169 = arith.index_cast %swap3A_168 : i32 to index
      %swap3A_170 = arith.constant 16 : index
      %swap3A_171 = tpu.vector_load %arg9[%swap3A_169, %swap3A_170] {strides = array<i32>} : memref<2x112xi32, #tpu.memory_space<vmem>>, vector<16xi32>,
      tpu.vector_store %arg9[%swap3A_169, %swap3A_170], %min3A_167 {strides = array<i32>} : memref<2x112xi32, #tpu.memory_space<vmem>>, vector<16xi32>,
      %add3A_172 = arith.constant 576 : i32
      %add3A_173 = vector.broadcast %add3A_172 : i32 to vector<16xi32>
      %add3A_174 = arith.addi %add3A_33, %add3A_173 : vector<16xi32>
      %gather3A_175 = tpu.vector_load_idx %arg8[%add3A_174] : memref<896xf32, #tpu.memory_space<vmem>>[vector<16xi32>], vector<16xf32>,
      %convert_element_type3A_176 = arith.fptosi %gather3A_175 : vector<16xf32> to vector<16xi32>
      %jit3A_177 = arith.constant 0 : i32
      %jit3A_178 = arith.constant 5161 : i32
      %max3A_179 = vector.broadcast %jit3A_177 : i32 to vector<16xi32>
      %max3A_180 = arith.maxsi %max3A_179, %convert_element_type3A_176 : vector<16xi32>
      %min3A_181 = vector.broadcast %jit3A_178 : i32 to vector<16xi32>
      %min3A_182 = arith.minsi %min3A_181, %max3A_180 : vector<16xi32>
      %swap3A_183 = arith.constant 1 : i32
      %swap3A_184 = arith.index_cast %swap3A_183 : i32 to index
      %swap3A_185 = arith.constant 32 : index
      %swap3A_186 = tpu.vector_load %arg9[%swap3A_184, %swap3A_185] {strides = array<i32>} : memref<2x112xi32, #tpu.memory_space<vmem>>, vector<16xi32>,
      tpu.vector_store %arg9[%swap3A_184, %swap3A_185], %min3A_182 {strides = array<i32>} : memref<2x112xi32, #tpu.memory_space<vmem>>, vector<16xi32>,
      %add3A_187 = arith.constant 640 : i32
      %add3A_188 = vector.broadcast %add3A_187 : i32 to vector<16xi32>
      %add3A_189 = arith.addi %add3A_33, %add3A_188 : vector<16xi32>
      %gather3A_190 = tpu.vector_load_idx %arg8[%add3A_189] : memref<896xf32, #tpu.memory_space<vmem>>[vector<16xi32>], vector<16xf32>,
      %convert_element_type3A_191 = arith.fptosi %gather3A_190 : vector<16xf32> to vector<16xi32>
      %jit3A_192 = arith.constant 0 : i32
      %jit3A_193 = arith.constant 5161 : i32
      %max3A_194 = vector.broadcast %jit3A_192 : i32 to vector<16xi32>
      %max3A_195 = arith.maxsi %max3A_194, %convert_element_type3A_191 : vector<16xi32>
      %min3A_196 = vector.broadcast %jit3A_193 : i32 to vector<16xi32>
      %min3A_197 = arith.minsi %min3A_196, %max3A_195 : vector<16xi32>
      %swap3A_198 = arith.constant 1 : i32
      %swap3A_199 = arith.index_cast %swap3A_198 : i32 to index
      %swap3A_200 = arith.constant 48 : index
      %swap3A_201 = tpu.vector_load %arg9[%swap3A_199, %swap3A_200] {strides = array<i32>} : memref<2x112xi32, #tpu.memory_space<vmem>>, vector<16xi32>,
      tpu.vector_store %arg9[%swap3A_199, %swap3A_200], %min3A_197 {strides = array<i32>} : memref<2x112xi32, #tpu.memory_space<vmem>>, vector<16xi32>,
      %add3A_202 = arith.constant 704 : i32
      %add3A_203 = vector.broadcast %add3A_202 : i32 to vector<16xi32>
      %add3A_204 = arith.addi %add3A_33, %add3A_203 : vector<16xi32>
      %gather3A_205 = tpu.vector_load_idx %arg8[%add3A_204] : memref<896xf32, #tpu.memory_space<vmem>>[vector<16xi32>], vector<16xf32>,
      %convert_element_type3A_206 = arith.fptosi %gather3A_205 : vector<16xf32> to vector<16xi32>
      %jit3A_207 = arith.constant 0 : i32
      %jit3A_208 = arith.constant 5161 : i32
      %max3A_209 = vector.broadcast %jit3A_207 : i32 to vector<16xi32>
      %max3A_210 = arith.maxsi %max3A_209, %convert_element_type3A_206 : vector<16xi32>
      %min3A_211 = vector.broadcast %jit3A_208 : i32 to vector<16xi32>
      %min3A_212 = arith.minsi %min3A_211, %max3A_210 : vector<16xi32>
      %swap3A_213 = arith.constant 1 : i32
      %swap3A_214 = arith.index_cast %swap3A_213 : i32 to index
      %swap3A_215 = arith.constant 64 : index
      %swap3A_216 = tpu.vector_load %arg9[%swap3A_214, %swap3A_215] {strides = array<i32>} : memref<2x112xi32, #tpu.memory_space<vmem>>, vector<16xi32>,
      tpu.vector_store %arg9[%swap3A_214, %swap3A_215], %min3A_212 {strides = array<i32>} : memref<2x112xi32, #tpu.memory_space<vmem>>, vector<16xi32>,
      %add3A_217 = arith.constant 768 : i32
      %add3A_218 = vector.broadcast %add3A_217 : i32 to vector<16xi32>
      %add3A_219 = arith.addi %add3A_33, %add3A_218 : vector<16xi32>
      %gather3A_220 = tpu.vector_load_idx %arg8[%add3A_219] : memref<896xf32, #tpu.memory_space<vmem>>[vector<16xi32>], vector<16xf32>,
      %convert_element_type3A_221 = arith.fptosi %gather3A_220 : vector<16xf32> to vector<16xi32>
      %jit3A_222 = arith.constant 0 : i32
      %jit3A_223 = arith.constant 5161 : i32
      %max3A_224 = vector.broadcast %jit3A_222 : i32 to vector<16xi32>
      %max3A_225 = arith.maxsi %max3A_224, %convert_element_type3A_221 : vector<16xi32>
      %min3A_226 = vector.broadcast %jit3A_223 : i32 to vector<16xi32>
      %min3A_227 = arith.minsi %min3A_226, %max3A_225 : vector<16xi32>
      %swap3A_228 = arith.constant 1 : i32
      %swap3A_229 = arith.index_cast %swap3A_228 : i32 to index
      %swap3A_230 = arith.constant 80 : index
      %swap3A_231 = tpu.vector_load %arg9[%swap3A_229, %swap3A_230] {strides = array<i32>} : memref<2x112xi32, #tpu.memory_space<vmem>>, vector<16xi32>,
      tpu.vector_store %arg9[%swap3A_229, %swap3A_230], %min3A_227 {strides = array<i32>} : memref<2x112xi32, #tpu.memory_space<vmem>>, vector<16xi32>,
      %add3A_232 = arith.constant 832 : i32
      %add3A_233 = vector.broadcast %add3A_232 : i32 to vector<16xi32>
      %add3A_234 = arith.addi %add3A_33, %add3A_233 : vector<16xi32>
      %gather3A_235 = tpu.vector_load_idx %arg8[%add3A_234] : memref<896xf32, #tpu.memory_space<vmem>>[vector<16xi32>], vector<16xf32>,
      %convert_element_type3A_236 = arith.fptosi %gather3A_235 : vector<16xf32> to vector<16xi32>
      %jit3A_237 = arith.constant 0 : i32
      %jit3A_238 = arith.constant 5161 : i32
      %max3A_239 = vector.broadcast %jit3A_237 : i32 to vector<16xi32>
      %max3A_240 = arith.maxsi %max3A_239, %convert_element_type3A_236 : vector<16xi32>
      %min3A_241 = vector.broadcast %jit3A_238 : i32 to vector<16xi32>
      %min3A_242 = arith.minsi %min3A_241, %max3A_240 : vector<16xi32>
      %swap3A_243 = arith.constant 1 : i32
      %swap3A_244 = arith.index_cast %swap3A_243 : i32 to index
      %swap3A_245 = arith.constant 96 : index
      %swap3A_246 = tpu.vector_load %arg9[%swap3A_244, %swap3A_245] {strides = array<i32>} : memref<2x112xi32, #tpu.memory_space<vmem>>, vector<16xi32>,
      tpu.vector_store %arg9[%swap3A_244, %swap3A_245], %min3A_242 {strides = array<i32>} : memref<2x112xi32, #tpu.memory_space<vmem>>, vector<16xi32>,
      %dma_start3A = arith.constant 0 : i32
      %dma_start3A_247 = arith.constant 0 : i32
      %dma_start3A_248 = arith.constant 0 : i32
      %dma_start3A_249 = tpu.memref_slice %arg10[%dma_start3A_247, %dma_start3A_248] : memref<224x96xf32, #tpu.memory_space<vmem>> -> memref<112x96xf32, #tpu.memory_space<vmem>>
      %dma_start3A_250 = arith.constant 0 : i32
      %dma_start3A_251 = tpu.memref_slice %arg9[%dma_start3A, %dma_start3A_250] : memref<2x112xi32, #tpu.memory_space<vmem>> -> memref<1x112xi32, #tpu.memory_space<vmem>>
      %dma_start3A_252 = tpu.memref_squeeze %dma_start3A_251 : memref<1x112xi32, #tpu.memory_space<vmem>> -> memref<112xi32, #tpu.memory_space<vmem>>
      %dma_start3A_253 = arith.constant 0 : i32
      %dma_start3A_254 = arith.constant 0 : i32
      %dma_start3A_255 = tpu.memref_slice %arg3[%dma_start3A_253, %dma_start3A_254] : memref<5162x96xf32, #tpu.memory_space<hbm>> -> memref<5162x96xf32, #tpu.memory_space<hbm>>
      tpu.enqueue_indirect_dma source(%dma_start3A_255 : memref<5162x96xf32, #tpu.memory_space<hbm>>) target(%dma_start3A_249 : memref<112x96xf32, #tpu.memory_space<vmem>>) offsets(%dma_start3A_252 : memref<112xi32, #tpu.memory_space<vmem>>) semaphore(%arg15 : memref<!tpu.dma_semaphore, #tpu.memory_space<semaphore_mem>>)
      %dma_start3A_256 = arith.constant 1 : i32
      %dma_start3A_257 = arith.constant 112 : i32
      %dma_start3A_258 = arith.constant 0 : i32
      %dma_start3A_259 = tpu.memref_slice %arg10[%dma_start3A_257, %dma_start3A_258] : memref<224x96xf32, #tpu.memory_space<vmem>> -> memref<112x96xf32, #tpu.memory_space<vmem>>
      %dma_start3A_260 = arith.constant 0 : i32
      %dma_start3A_261 = tpu.memref_slice %arg9[%dma_start3A_256, %dma_start3A_260] : memref<2x112xi32, #tpu.memory_space<vmem>> -> memref<1x112xi32, #tpu.memory_space<vmem>>
      %dma_start3A_262 = tpu.memref_squeeze %dma_start3A_261 : memref<1x112xi32, #tpu.memory_space<vmem>> -> memref<112xi32, #tpu.memory_space<vmem>>
      %dma_start3A_263 = arith.constant 0 : i32
      %dma_start3A_264 = arith.constant 0 : i32
      %dma_start3A_265 = tpu.memref_slice %arg3[%dma_start3A_263, %dma_start3A_264] : memref<5162x96xf32, #tpu.memory_space<hbm>> -> memref<5162x96xf32, #tpu.memory_space<hbm>>
      tpu.enqueue_indirect_dma source(%dma_start3A_265 : memref<5162x96xf32, #tpu.memory_space<hbm>>) target(%dma_start3A_259 : memref<112x96xf32, #tpu.memory_space<vmem>>) offsets(%dma_start3A_262 : memref<112xi32, #tpu.memory_space<vmem>>) semaphore(%arg15 : memref<!tpu.dma_semaphore, #tpu.memory_space<semaphore_mem>>)
      %scan3A_266 = arith.constant 0 : i32
      %scan3A_267 = arith.constant 0 : i32
      %scan3A_268 = arith.constant 200 : i32
      %scan3A_269 = arith.addi %scan3A_267, %scan3A_268 : i32
      %scan3A_270 = arith.constant 1 : i32
      scf.for %scan3A_291 = %scan3A_267 to %scan3A_269 step %scan3A_270  : i32 {
        %mul3A_292 = arith.constant 4 : i32
        %mul3A_293 = arith.muli %mul3A_292, %scan3A_291 : i32
        %get3A_294 = arith.index_cast %mul3A_293 : i32 to index
        %get3A_295 = tpu.vector_load %arg8[%get3A_294] {strides = array<i32>} : memref<896xf32, #tpu.memory_space<vmem>>, vector<16xf32>,
        %slice3A = vector.extract_strided_slice %get3A_295 {offsets = [0], sizes = [1], strides = [1]} : vector<16xf32> to vector<1xf32>
        %squeeze3A = vector.extract %slice3A[0] : f32 from vector<1xf32>
        %slice3A_296 = vector.extract_strided_slice %get3A_295 {offsets = [1], sizes = [1], strides = [1]} : vector<16xf32> to vector<1xf32>
        %squeeze3A_297 = vector.extract %slice3A_296[0] : f32 from vector<1xf32>
        %slice3A_298 = vector.extract_strided_slice %get3A_295 {offsets = [2], sizes = [1], strides = [1]} : vector<16xf32> to vector<1xf32>
        %squeeze3A_299 = vector.extract %slice3A_298[0] : f32 from vector<1xf32>
        %mul3A_300 = vector.broadcast %squeeze3A : f32 to vector<16xf32>
        %mul3A_301 = arith.mulf %mul3A_300, %get3A_3 : vector<16xf32>
        %mul3A_302 = vector.broadcast %squeeze3A_297 : f32 to vector<16xf32>
        %mul3A_303 = arith.mulf %mul3A_302, %get3A_11 : vector<16xf32>
        %add3A_304 = arith.addf %mul3A_301, %mul3A_303 : vector<16xf32>
        %mul3A_305 = vector.broadcast %squeeze3A_299 : f32 to vector<16xf32>
        %mul3A_306 = arith.mulf %mul3A_305, %get3A_19 : vector<16xf32>
        %add3A_307 = arith.addf %add3A_304, %mul3A_306 : vector<16xf32>
        %add3A_308 = arith.addf %add3A_307, %get3A_25 : vector<16xf32>
        %swap3A_309 = arith.index_cast %scan3A_291 : i32 to index
        %swap3A_310 = arith.constant 0 : index
        %swap3A_311 = tpu.vector_load %arg11[%swap3A_309, %swap3A_310] {strides = array<i32>} : memref<200x32xf32, #tpu.memory_space<vmem>>, vector<16xf32>,
        tpu.vector_store %arg11[%swap3A_309, %swap3A_310], %add3A_308 {strides = array<i32>} : memref<200x32xf32, #tpu.memory_space<vmem>>, vector<16xf32>,
        %mul3A_312 = vector.broadcast %squeeze3A : f32 to vector<16xf32>
        %mul3A_313 = arith.mulf %mul3A_312, %get3A_7 : vector<16xf32>
        %mul3A_314 = vector.broadcast %squeeze3A_297 : f32 to vector<16xf32>
        %mul3A_315 = arith.mulf %mul3A_314, %get3A_15 : vector<16xf32>
        %add3A_316 = arith.addf %mul3A_313, %mul3A_315 : vector<16xf32>
        %mul3A_317 = vector.broadcast %squeeze3A_299 : f32 to vector<16xf32>
        %mul3A_318 = arith.mulf %mul3A_317, %get3A_23 : vector<16xf32>
        %add3A_319 = arith.addf %add3A_316, %mul3A_318 : vector<16xf32>
        %add3A_320 = arith.addf %add3A_319, %get3A_27 : vector<16xf32>
        %swap3A_321 = arith.index_cast %scan3A_291 : i32 to index
        %swap3A_322 = arith.constant 16 : index
        %swap3A_323 = tpu.vector_load %arg11[%swap3A_321, %swap3A_322] {strides = array<i32>} : memref<200x32xf32, #tpu.memory_space<vmem>>, vector<16xf32>,
        tpu.vector_store %arg11[%swap3A_321, %swap3A_322], %add3A_320 {strides = array<i32>} : memref<200x32xf32, #tpu.memory_space<vmem>>, vector<16xf32>,
      }
      %scan3A_271 = arith.constant 200 : i32
      %dma_wait3A = arith.constant 0 : i32
      %dma_wait3A_272 = arith.constant 0 : i32
      %dma_wait3A_273 = arith.constant 0 : i32
      %dma_wait3A_274 = tpu.memref_slice %arg10[%dma_wait3A_272, %dma_wait3A_273] : memref<224x96xf32, #tpu.memory_space<vmem>> -> memref<112x96xf32, #tpu.memory_space<vmem>>
      %dma_wait3A_275 = arith.constant 0 : i32
      %dma_wait3A_276 = tpu.memref_slice %arg9[%dma_wait3A, %dma_wait3A_275] : memref<2x112xi32, #tpu.memory_space<vmem>> -> memref<1x112xi32, #tpu.memory_space<vmem>>
      %dma_wait3A_277 = tpu.memref_squeeze %dma_wait3A_276 : memref<1x112xi32, #tpu.memory_space<vmem>> -> memref<112xi32, #tpu.memory_space<vmem>>
      %dma_wait3A_278 = arith.constant 0 : i32
      %dma_wait3A_279 = arith.constant 0 : i32
      %dma_wait3A_280 = tpu.memref_slice %arg3[%dma_wait3A_278, %dma_wait3A_279] : memref<5162x96xf32, #tpu.memory_space<hbm>> -> memref<5162x96xf32, #tpu.memory_space<hbm>>
      tpu.wait_indirect_dma semaphore(%arg15 : memref<!tpu.dma_semaphore, #tpu.memory_space<semaphore_mem>>) src(%dma_wait3A_280 : memref<5162x96xf32, #tpu.memory_space<hbm>>) dst(%dma_wait3A_274 : memref<112x96xf32, #tpu.memory_space<vmem>>)
      %dma_wait3A_281 = arith.constant 1 : i32
      %dma_wait3A_282 = arith.constant 112 : i32
      %dma_wait3A_283 = arith.constant 0 : i32
      %dma_wait3A_284 = tpu.memref_slice %arg10[%dma_wait3A_282, %dma_wait3A_283] : memref<224x96xf32, #tpu.memory_space<vmem>> -> memref<112x96xf32, #tpu.memory_space<vmem>>
      %dma_wait3A_285 = arith.constant 0 : i32
      %dma_wait3A_286 = tpu.memref_slice %arg9[%dma_wait3A_281, %dma_wait3A_285] : memref<2x112xi32, #tpu.memory_space<vmem>> -> memref<1x112xi32, #tpu.memory_space<vmem>>
      %dma_wait3A_287 = tpu.memref_squeeze %dma_wait3A_286 : memref<1x112xi32, #tpu.memory_space<vmem>> -> memref<112xi32, #tpu.memory_space<vmem>>
      %dma_wait3A_288 = arith.constant 0 : i32
      %dma_wait3A_289 = arith.constant 0 : i32
      %dma_wait3A_290 = tpu.memref_slice %arg3[%dma_wait3A_288, %dma_wait3A_289] : memref<5162x96xf32, #tpu.memory_space<hbm>> -> memref<5162x96xf32, #tpu.memory_space<hbm>>
      tpu.wait_indirect_dma semaphore(%arg15 : memref<!tpu.dma_semaphore, #tpu.memory_space<semaphore_mem>>) src(%dma_wait3A_290 : memref<5162x96xf32, #tpu.memory_space<hbm>>) dst(%dma_wait3A_284 : memref<112x96xf32, #tpu.memory_space<vmem>>)
      %run_scoped3A = arith.constant 0 : i32
      "tpu.region"() ({
        %run_scoped3A_291 = tpu.sem_alloc : memref<!tpu.dma_semaphore, #tpu.memory_space<semaphore_mem>>
        %dma_start3A_292 = arith.constant 0 : i32
        %dma_start3A_293 = tpu.memref_slice %arg7[%add3A_42, %run_scoped3A, %dma_start3A_292] : memref<1024x201x128xf32, #tpu.memory_space<hbm>> -> memref<1x1x128xf32, #tpu.memory_space<hbm>>
        %dma_start3A_294 = tpu.memref_squeeze %dma_start3A_293 : memref<1x1x128xf32, #tpu.memory_space<hbm>> -> memref<128xf32, #tpu.memory_space<hbm>>
        %dma_start3A_295 = arith.constant 0 : i32
        %dma_start3A_296 = tpu.memref_slice %arg7[%add3A_42, %run_scoped3A, %dma_start3A_295] : memref<1024x201x128xf32, #tpu.memory_space<hbm>> -> memref<1x1x128xf32, #tpu.memory_space<hbm>>
        %dma_start3A_297 = tpu.memref_squeeze %dma_start3A_296 : memref<1x1x128xf32, #tpu.memory_space<hbm>> -> memref<128xf32, #tpu.memory_space<hbm>>
        tpu.enqueue_dma source(%arg14 : memref<128xf32, #tpu.memory_space<vmem>>) target(%dma_start3A_297 : memref<128xf32, #tpu.memory_space<hbm>>) target_semaphore(%run_scoped3A_291 : memref<!tpu.dma_semaphore, #tpu.memory_space<semaphore_mem>>)
        %dma_wait3A_298 = arith.constant 0 : i32
        %dma_wait3A_299 = tpu.memref_slice %arg7[%add3A_42, %run_scoped3A, %dma_wait3A_298] : memref<1024x201x128xf32, #tpu.memory_space<hbm>> -> memref<1x1x128xf32, #tpu.memory_space<hbm>>
        %dma_wait3A_300 = tpu.memref_squeeze %dma_wait3A_299 : memref<1x1x128xf32, #tpu.memory_space<hbm>> -> memref<128xf32, #tpu.memory_space<hbm>>
        %dma_wait3A_301 = arith.constant 0 : i32
        %dma_wait3A_302 = tpu.memref_slice %arg7[%add3A_42, %run_scoped3A, %dma_wait3A_301] : memref<1024x201x128xf32, #tpu.memory_space<hbm>> -> memref<1x1x128xf32, #tpu.memory_space<hbm>>
        %dma_wait3A_303 = tpu.memref_squeeze %dma_wait3A_302 : memref<1x1x128xf32, #tpu.memory_space<hbm>> -> memref<128xf32, #tpu.memory_space<hbm>>
        tpu.wait_dma2 semaphore(%run_scoped3A_291 : memref<!tpu.dma_semaphore, #tpu.memory_space<semaphore_mem>>) src(%arg14 : memref<128xf32, #tpu.memory_space<vmem>>) dst(%dma_wait3A_303 : memref<128xf32, #tpu.memory_space<hbm>>)
        tpu.yield
      }) : () -> ()
      "tpu.region"() ({
        %run_scoped3A_291 = tpu.sem_alloc : memref<!tpu.dma_semaphore, #tpu.memory_space<semaphore_mem>>
        %dma_start3A_292 = arith.constant 0 : i32
        %dma_start3A_293 = arith.constant 0 : i32
        %dma_start3A_294 = tpu.memref_slice %arg10[%dma_start3A_292, %dma_start3A_293] : memref<224x96xf32, #tpu.memory_space<vmem>> -> memref<200x96xf32, #tpu.memory_space<vmem>>
        %dma_start3A_295 = arith.constant 1 : i32
        %dma_start3A_296 = arith.constant 0 : i32
        %dma_start3A_297 = tpu.memref_slice %arg7[%add3A_42, %dma_start3A_295, %dma_start3A_296] : memref<1024x201x128xf32, #tpu.memory_space<hbm>> -> memref<1x200x96xf32, #tpu.memory_space<hbm>>
        %dma_start3A_298 = tpu.memref_squeeze %dma_start3A_297 : memref<1x200x96xf32, #tpu.memory_space<hbm>> -> memref<200x96xf32, #tpu.memory_space<hbm>>
        %dma_start3A_299 = arith.constant 1 : i32
        %dma_start3A_300 = arith.constant 0 : i32
        %dma_start3A_301 = tpu.memref_slice %arg7[%add3A_42, %dma_start3A_299, %dma_start3A_300] : memref<1024x201x128xf32, #tpu.memory_space<hbm>> -> memref<1x200x96xf32, #tpu.memory_space<hbm>>
        %dma_start3A_302 = tpu.memref_squeeze %dma_start3A_301 : memref<1x200x96xf32, #tpu.memory_space<hbm>> -> memref<200x96xf32, #tpu.memory_space<hbm>>
        %dma_start3A_303 = arith.constant 0 : i32
        %dma_start3A_304 = arith.constant 0 : i32
        %dma_start3A_305 = tpu.memref_slice %arg10[%dma_start3A_303, %dma_start3A_304] : memref<224x96xf32, #tpu.memory_space<vmem>> -> memref<200x96xf32, #tpu.memory_space<vmem>>
        tpu.enqueue_dma source(%dma_start3A_305 : memref<200x96xf32, #tpu.memory_space<vmem>>) target(%dma_start3A_302 : memref<200x96xf32, #tpu.memory_space<hbm>>) target_semaphore(%run_scoped3A_291 : memref<!tpu.dma_semaphore, #tpu.memory_space<semaphore_mem>>)
        %dma_wait3A_306 = arith.constant 0 : i32
        %dma_wait3A_307 = arith.constant 0 : i32
        %dma_wait3A_308 = tpu.memref_slice %arg10[%dma_wait3A_306, %dma_wait3A_307] : memref<224x96xf32, #tpu.memory_space<vmem>> -> memref<200x96xf32, #tpu.memory_space<vmem>>
        %dma_wait3A_309 = arith.constant 1 : i32
        %dma_wait3A_310 = arith.constant 0 : i32
        %dma_wait3A_311 = tpu.memref_slice %arg7[%add3A_42, %dma_wait3A_309, %dma_wait3A_310] : memref<1024x201x128xf32, #tpu.memory_space<hbm>> -> memref<1x200x96xf32, #tpu.memory_space<hbm>>
        %dma_wait3A_312 = tpu.memref_squeeze %dma_wait3A_311 : memref<1x200x96xf32, #tpu.memory_space<hbm>> -> memref<200x96xf32, #tpu.memory_space<hbm>>
        %dma_wait3A_313 = arith.constant 1 : i32
        %dma_wait3A_314 = arith.constant 0 : i32
        %dma_wait3A_315 = tpu.memref_slice %arg7[%add3A_42, %dma_wait3A_313, %dma_wait3A_314] : memref<1024x201x128xf32, #tpu.memory_space<hbm>> -> memref<1x200x96xf32, #tpu.memory_space<hbm>>
        %dma_wait3A_316 = tpu.memref_squeeze %dma_wait3A_315 : memref<1x200x96xf32, #tpu.memory_space<hbm>> -> memref<200x96xf32, #tpu.memory_space<hbm>>
        %dma_wait3A_317 = arith.constant 0 : i32
        %dma_wait3A_318 = arith.constant 0 : i32
        %dma_wait3A_319 = tpu.memref_slice %arg10[%dma_wait3A_317, %dma_wait3A_318] : memref<224x96xf32, #tpu.memory_space<vmem>> -> memref<200x96xf32, #tpu.memory_space<vmem>>
        tpu.wait_dma2 semaphore(%run_scoped3A_291 : memref<!tpu.dma_semaphore, #tpu.memory_space<semaphore_mem>>) src(%dma_wait3A_319 : memref<200x96xf32, #tpu.memory_space<vmem>>) dst(%dma_wait3A_316 : memref<200x96xf32, #tpu.memory_space<hbm>>)
        tpu.yield
      }) : () -> ()
      "tpu.region"() ({
        %run_scoped3A_291 = tpu.sem_alloc : memref<!tpu.dma_semaphore, #tpu.memory_space<semaphore_mem>>
        %dma_start3A_292 = arith.constant 1 : i32
        %dma_start3A_293 = arith.constant 96 : i32
        %dma_start3A_294 = tpu.memref_slice %arg7[%add3A_42, %dma_start3A_292, %dma_start3A_293] : memref<1024x201x128xf32, #tpu.memory_space<hbm>> -> memref<1x200x32xf32, #tpu.memory_space<hbm>>
        %dma_start3A_295 = tpu.memref_squeeze %dma_start3A_294 : memref<1x200x32xf32, #tpu.memory_space<hbm>> -> memref<200x32xf32, #tpu.memory_space<hbm>>
        %dma_start3A_296 = arith.constant 1 : i32
        %dma_start3A_297 = arith.constant 96 : i32
        %dma_start3A_298 = tpu.memref_slice %arg7[%add3A_42, %dma_start3A_296, %dma_start3A_297] : memref<1024x201x128xf32, #tpu.memory_space<hbm>> -> memref<1x200x32xf32, #tpu.memory_space<hbm>>
        %dma_start3A_299 = tpu.memref_squeeze %dma_start3A_298 : memref<1x200x32xf32, #tpu.memory_space<hbm>> -> memref<200x32xf32, #tpu.memory_space<hbm>>
        tpu.enqueue_dma source(%arg11 : memref<200x32xf32, #tpu.memory_space<vmem>>) target(%dma_start3A_299 : memref<200x32xf32, #tpu.memory_space<hbm>>) target_semaphore(%run_scoped3A_291 : memref<!tpu.dma_semaphore, #tpu.memory_space<semaphore_mem>>)
        %dma_wait3A_300 = arith.constant 1 : i32
        %dma_wait3A_301 = arith.constant 96 : i32
        %dma_wait3A_302 = tpu.memref_slice %arg7[%add3A_42, %dma_wait3A_300, %dma_wait3A_301] : memref<1024x201x128xf32, #tpu.memory_space<hbm>> -> memref<1x200x32xf32, #tpu.memory_space<hbm>>
        %dma_wait3A_303 = tpu.memref_squeeze %dma_wait3A_302 : memref<1x200x32xf32, #tpu.memory_space<hbm>> -> memref<200x32xf32, #tpu.memory_space<hbm>>
        %dma_wait3A_304 = arith.constant 1 : i32
        %dma_wait3A_305 = arith.constant 96 : i32
        %dma_wait3A_306 = tpu.memref_slice %arg7[%add3A_42, %dma_wait3A_304, %dma_wait3A_305] : memref<1024x201x128xf32, #tpu.memory_space<hbm>> -> memref<1x200x32xf32, #tpu.memory_space<hbm>>
        %dma_wait3A_307 = tpu.memref_squeeze %dma_wait3A_306 : memref<1x200x32xf32, #tpu.memory_space<hbm>> -> memref<200x32xf32, #tpu.memory_space<hbm>>
        tpu.wait_dma2 semaphore(%run_scoped3A_291 : memref<!tpu.dma_semaphore, #tpu.memory_space<semaphore_mem>>) src(%arg11 : memref<200x32xf32, #tpu.memory_space<vmem>>) dst(%dma_wait3A_307 : memref<200x32xf32, #tpu.memory_space<hbm>>)
        tpu.yield
      }) : () -> ()
    }
    %scan3A_38 = arith.constant 32 : i32
    return
  }
}

module attributes {stable_mosaic.version = 14 : i64} {
  func.func @_mask_body(%arg0: memref<1024x1xi32, #tpu.memory_space<vmem>>, %arg1: memref<1024x201xi32, #tpu.memory_space<vmem>>) attributes {dimension_semantics = [], scalar_prefetch = 0 : i64, scratch_operands = 0 : i64, tpu.core_type = #tpu.core_type<tc>} {
    %iota3A = tpu.iota {dimensions = array<i32: 1>} : vector<1024x201xi32>
    %get3A = arith.constant 0 : index
    %get3A_0 = arith.constant 0 : index
    %get3A_1 = vector.load %arg0[%get3A, %get3A_0] : memref<1024x1xi32, #tpu.memory_space<vmem>>, vector<1024x1xi32>
    %gt3A = vector.broadcast %get3A_1 : vector<1024x1xi32> to vector<1024x201xi32>
    %gt3A_2 = arith.cmpi sgt, %iota3A, %gt3A : vector<1024x201xi32>
    %ne3A = arith.constant 0 : i32
    %ne3A_3 = vector.broadcast %ne3A : i32 to vector<1024x201xi32>
    %ne3A_4 = arith.cmpi ne, %iota3A, %ne3A_3 : vector<1024x201xi32>
    %and3A = arith.andi %gt3A_2, %ne3A_4 : vector<1024x201xi1>
    %swap3A = arith.constant 0 : index
    %swap3A_5 = arith.constant 0 : index
    %swap3A_6 = vector.load %arg1[%swap3A, %swap3A_5] : memref<1024x201xi32, #tpu.memory_space<vmem>>, vector<1024x201xi32>
    %swap3A_7 = arith.extui %and3A : vector<1024x201xi1> to vector<1024x201xi32>
    %swap3A_8 = arith.constant dense<0> : vector<1024x201xi32>
    %swap3A_9 = arith.cmpi ne, %swap3A_6, %swap3A_8 : vector<1024x201xi32>
    tpu.vector_store %arg1[%swap3A, %swap3A_5], %swap3A_7 {strides = array<i32>} : memref<1024x201xi32, #tpu.memory_space<vmem>>, vector<1024x201xi32>,
    return
  }
}

</mosaic_0001>

<sc_bundles>
// kernel: kernel.4.cloned.1.call-start
scs
__scs_entry_jumppad:
0x0: {  	(pc) =	sbr.rel $0x88, $3  }
0x1: {  	(tag) =	ssettag $0x0;
	lr =	simm.s32 $0x1  }
0x2: {  	[smem:$0x3F9B] =	sst lr;
	_ =	strace $0xD0000000  }
0x3: {  	_ = 	snop  }
0x4: {  	_ = 	snop  }
0x5: {  	_ = 	snop  }
0x6: {  	_ = 	snop  }
0x7: {  	_ = 	snop  }
__scs_overlays_trampoline_lowered:
0x8: {  	[smem:$0x3FAA] =	sst s0  }
0x9: {  	[smem:$0x3FAB] =	sst s1  }
0xa: {  	[smem:$0x3FAC] =	sst s2  }
0xb: {  	[smem:$0x3FAD] =	sst s3  }
0xc: {  	[smem:$0x3FAE] =	sst s4  }
0xd: {  	[smem:$0x3FAF] =	sst s5  }
0xe: {  	[smem:$0x3FB0] =	sst s6  }
0xf: {  	[smem:$0x3FB1] =	sst s7  }
0x10: {  	[smem:$0x3FB2] =	sst s8  }
0x11: {  	[smem:$0x3FB3] =	sst s9;
	s0 =	simm.s32 @!p0 $0x0  }
0x12: {  	s1 =	sld [smem:$0x3F99];
	s0 =	simm.s32 @p0 $0x1  }
0x13: {  	[smem:$0x3FB4] =	sst s0;
	s0 =	simm.s32 @!p1 $0x0  }
0x14: {  	s2 =	sld [smem:$0x3F98];
	s0 =	simm.s32 @p1 $0x1  }
0x15: {  	[smem:$0x3FB5] =	sst s0;
	s0 =	simm.s32 @!p2 $0x0  }
0x16: {  	s3 =	sld [smem:$0x3FDB];
	s0 =	simm.s32 @p2 $0x1  }
0x17: {  	s4 =	simm.s32 $0x1BF5;
	[smem:$0x3FB7] =	sst s0  }
0x18: {  	s0 =	sld [smem:$0x3F9A];
	_ =	swait.ge [sflag:s4], $0x0  }
0x19: {  	s7 =	sld [smem:$0x3F9B]  }
0x1a: {  	s8 =	sadd.s32 $0xFFFFE003, lr  }
0x1b: {  	s9 =	sadd.s32 $0xFFFFFEF7, lr;
	s5 =	simm.s32 $0xFFFFFFFF;
	p2 =	slt.u32 s8, $0xFFFFF086  }
0x1c: {  	p1 =	slt.u32 s9, $0xF7A;
	s5 =	simm.s32 @!p2 $0x0  }
0x1d: {  	s5 =	simm.s32 @p1 $0x1;
	p0 =	seq.s32 s7, s2  }
0x1e: {  	s7 =	smul.u32 @!p0 $0xF7A, s2;
	p2 =	seq.s32 @!p0 s5, $0x0  }
0x1f: {  	s9 =	smul.u32 $0xF7A, s1;
	s8 =	simm.s32 @!p0 $0x1BF5;
	p2 =	por !p2, p0  }
0x20: {  	[sflag:s8] =	ssyncset.s32 @!p0 $0xFFFFF086;
	s6 =	sadd.s32 @!p0 s3, s7;
	s7 =	simm.s32 @!p0 $0x108  }
0x21: {  	s3 =	sadd.s32 s3, s9;
	s6 =	sadd.s32 @!p0 $0x88, s6;
	s7 =	simm.s32 @p2 $0x1082  }
0x22: {  	[simem:s7], [sflag:s8] =	dma.local @!p0 [hbm:s6], $0xF7A  }
0x23: {  	s9 =	sor.u32 $0xD0000000, s2;
	s6 =	simm.s32 $0x108;
	_ =	swait.ge @!p0 [sflag:s8], $0x0  }
0x24: {  	s3 =	sadd.s32 $0x88, s3;
	s6 =	simm.s32 @!p1 $0x1082;
	[sflag:s4] =	ssyncset.s32 $0xFFFFF086  }
0x25: {  	[simem:s6], [sflag:s4] =	dma.local [hbm:s3], $0xF7A  }
0x26: {  	[smem:$0x3F9B] =	sst s1;
	(tag) =	ssettag s2;
	_ =	strace s9  }
0x27: {  	s1 =	sld [smem:$0x3FAB]  }
0x28: {  	s2 =	sld [smem:$0x3FAC]  }
0x29: {  	s4 =	sld [smem:$0x3FAE]  }
0x2a: {  	p0 =	seq.s32 s5, $0x0;
	s5 =	sld [smem:$0x3FAF]  }
0x2b: {  	s6 =	sld [smem:$0x3FB0]  }
0x2c: {  	s7 =	sld [smem:$0x3FB1]  }
0x2d: {  	s3 =	simm.s32 $0x108;
	s8 =	sld [smem:$0x3FB2]  }
0x2e: {  	s3 =	simm.s32 @!p0 $0x1082;
	s9 =	sld [smem:$0x3FB3]  }
0x2f: {  	lr =	sadd.s32 s0, s3;
	s0 =	sld [smem:$0x3FAA]  }
0x30: {  	s3 =	sld [smem:$0x3FAD]  }
0x31: {  	[smem:$0x3FB6] =	sst s10  }
0x32: {  	s10 =	sld [smem:$0x3FB4];
	_ =	sdelay $0x3  }
0x33: {  	p0 =	seq.s32 s10, $0x1;
	s10 =	sld [smem:$0x3FB6];
	_ =	sdelay $0x3  }
0x34: {  	[smem:$0x3FB6] =	sst s10  }
0x35: {  	s10 =	sld [smem:$0x3FB5];
	_ =	sdelay $0x3  }
0x36: {  	p1 =	seq.s32 s10, $0x1;
	s10 =	sld [smem:$0x3FB6];
	_ =	sdelay $0x3  }
0x37: {  	[smem:$0x3FB6] =	sst s10  }
0x38: {  	s10 =	sld [smem:$0x3FB7]  }
0x39: {  	_ = 	snop;
	(pc) =	sbr.ind lr, $3  }
0x3a: {  	_ = 	snop  }
0x3b: {  	_ = 	snop  }
0x3c: {  	p2 =	seq.s32 s10, $0x1;
	s10 =	sld [smem:$0x3FB6]  }
0x3d: {  	_ =	shalt  }
0x3e: {  	_ =	shalt  }
0x3f: {  	_ =	shalt  }
0x40: {  	_ =	shalt  }
0x41: {  	_ =	shalt  }
0x42: {  	_ =	shalt  }
0x43: {  	_ =	shalt  }
0x44: {  	_ =	shalt  }
0x45: {  	_ =	shalt  }
0x46: {  	_ =	shalt  }
0x47: {  	_ =	shalt  }
0x48: {  	_ =	shalt  }
0x49: {  	_ =	shalt  }
0x4a: {  	_ =	shalt  }
0x4b: {  	_ =	shalt  }
0x4c: {  	_ =	shalt  }
0x4d: {  	_ =	shalt  }
0x4e: {  	_ =	shalt  }
0x4f: {  	_ =	shalt  }
0x50: {  	_ =	shalt  }
0x51: {  	_ =	shalt  }
0x52: {  	_ =	shalt  }
0x53: {  	_ =	shalt  }
0x54: {  	_ =	shalt  }
0x55: {  	_ =	shalt  }
0x56: {  	_ =	shalt  }
0x57: {  	_ =	shalt  }
0x58: {  	_ =	shalt  }
0x59: {  	_ =	shalt  }
0x5a: {  	_ =	shalt  }
0x5b: {  	_ =	shalt  }
0x5c: {  	_ =	shalt  }
0x5d: {  	_ =	shalt  }
0x5e: {  	_ =	shalt  }
0x5f: {  	_ =	shalt  }
0x60: {  	_ =	shalt  }
0x61: {  	_ =	shalt  }
0x62: {  	_ =	shalt  }
0x63: {  	_ =	shalt  }
0x64: {  	_ =	shalt  }
0x65: {  	_ =	shalt  }
0x66: {  	_ =	shalt  }
0x67: {  	_ =	shalt  }
0x68: {  	_ =	shalt  }
0x69: {  	_ =	shalt  }
0x6a: {  	_ =	shalt  }
0x6b: {  	_ =	shalt  }
0x6c: {  	_ =	shalt  }
0x6d: {  	_ =	shalt  }
0x6e: {  	_ =	shalt  }
0x6f: {  	_ =	shalt  }
0x70: {  	_ =	shalt  }
0x71: {  	_ =	shalt  }
0x72: {  	_ =	shalt  }
0x73: {  	_ =	shalt  }
0x74: {  	_ =	shalt  }
0x75: {  	_ =	shalt  }
0x76: {  	_ =	shalt  }
0x77: {  	_ =	shalt  }
0x78: {  	_ =	shalt  }
0x79: {  	_ =	shalt  }
0x7a: {  	_ =	shalt  }
0x7b: {  	_ =	shalt  }
0x7c: {  	_ =	shalt  }
0x7d: {  	_ =	shalt  }
0x7e: {  	_ =	shalt  }
0x7f: {  	_ =	shalt  }
0x80: {  	_ =	shalt  }
0x81: {  	_ =	shalt  }
0x82: {  	_ =	shalt  }
0x83: {  	_ =	shalt  }
0x84: {  	_ =	shalt  }
0x85: {  	_ =	shalt  }
0x86: {  	_ =	shalt  }
0x87: {  	_ =	shalt  }
.Lfunc_end0:
.L_simem_size_0:
called_computation.1_lowered:
.L_overlay_start_0:
0x88: {  	s2 =	sld [smem:$0x3FD9]  }
0x89: {  	s3 =	sld [smem:$0x3FFE];
	_ =	sdelay $0x1  }
0x8a: {  	s1 =	srdreg.scid  }
0x8b: {  	s0 =	sand.u32 $0x1, s1  }
0x8c: {  	s14 =	sshll.u32 s0, $0xA;
	s2 =	sadd.s32 s3, s2  }
0x8d: {  	s2 =	sadd.s32 s2, s14  }
0x8e: {  	[smem:$0x3FC2] =	sst s2  }
0x8f: {  	_ = 	snop  }
0x90: {  	s2 =	sld [smem:$0x3FD0];
	_ =	sdelay $0x1  }
0x91: {  	s15 =	sld [smem:$0x3FC5]  }
0x92: {  	s5 =	simm.s32 $0xA;
	s6 =	simm.s32 $0x10;
	s4 =	sld [smem:$0x3FC4]  }
0x93: {  	[smem:s6], [sflag:s5] =	dma.local [hbm:s2], $0x1  }
0x94: {  	_ =	swait.eq [sflag:s5], $0x1  }
0x95: {  	[sflag:s5] =	ssyncset.done $0x0  }
0x96: {  	s16 =	sld [smem:$0x10];
	[sflag:s5] =	ssyncadd.s32 $0xFFFFFFFF  }
0x97: {  	s17 =	sld [smem:$0x11];
	(tm) =	ssettm $0x1  }
0x98: {  	s18 =	sld [smem:$0x3FFB];
	_ =	sdelay $0x3  }
0x99: {  	_ =	strace s18  }
0x9a: {  	s6 =	sld [smem:$0x3FFC];
	_ =	sdelay $0x3  }
0x9b: {  	_ =	strace s6  }
0x9c: {  	s6 =	sld [smem:$0x3FFD];
	_ =	sdelay $0x3  }
0x9d: {  	_ =	strace s6  }
0x9e: {  	_ =	strace $0x8FFFFFFF  }
0x9f: {  	s19 =	sld [smem:$0x3FDB];
	_ =	sdelay $0x1  }
0xa0: {  	s7 =	simm.s32 $_scs_section_size  }
0xa1: {  	s8 =	simm.s32 $_size__tile_overlayer_lowered;
	s9 =	simm.s32 $_tile_overlayer_lowered  }
0xa2: {  	s22 =	simm.s32 $0x1BFF;
	s21 =	sshll.u32 s9, $0x1;
	s6 =	sadd.s32 s7, s19  }
0xa3: {  	s10 =	simm.s32 $0x0;
	s20 =	sshll.u32 s8, $0x1;
	s8 =	sadd.s32 s21, s6  }
0xa4: {  	[timem:s10], [sflag:s22] =	dma.local [hbm:s8], s20  }
0xa5: {  	_ =	swait.ge [sflag:s22], s20  }
0xa6: {  	s7 =	ssub.s32 $0x0, s20;
	[sflag:s22] =	ssyncset.done $0x0  }
0xa7: {  	[sflag:s22] =	ssyncadd.s32 s7;
	_ =	sdelay $0x1  }
0xa8: {  	s23 =	simm.s32 $0x1B8B  }
0xa9: {  	_ =	swait.ge [sflag:s23], $0x1  }
0xaa: {  	[sflag:s23] =	ssyncset.done $0x0  }
0xab: {  	s25 =	simm.s32 $0x1B8E;
	s24 =	sld [smem:$0x3FFE];
	[sflag:s23] =	ssyncadd.s32 $0xFFFFFFFF  }
0xac: {  	s26 =	simm.s32 $execute0_lowered;
	[smem:$0x3FD2] =	sst s25  }
0xad: {  	s8 =	sshll.u32 s26, $0x1;
	_ =	strace $0x80000046;
	[dreg:$0x1] =	wrdreg $0xFFFFFFFF  }
0xae: {  	s28 =	simm.s32 $_size_execute0_lowered;
	s6 =	sadd.s32 s6, s8;
	[dreg:$0x0] =	wrdreg $0x0  }
0xaf: {  	s8 =	sshll.u32 s28, $0x1;
	[dreg:$0x2] =	wrdreg s6  }
0xb0: {  	[dreg:$0x3] =	wrdreg s8  }
0xb1: {  	[dreg:$0x4] =	wrdreg $0xC0  }
0xb2: {  	_ =	task [dreg:s10], $0x5FFFF  }
0xb3: {  	[dreg:$0x1] =	wrdreg $0xFFFFFFFF  }
0xb4: {  	[dreg:$0x0] =	wrdreg $0x60  }
0xb5: {  	[dreg:$0x2] =	wrdreg s24  }
0xb6: {  	[dreg:$0x3] =	wrdreg s17  }
0xb7: {  	[dreg:$0x4] =	wrdreg s15  }
0xb8: {  	[dreg:$0x5] =	wrdreg s4  }
0xb9: {  	[dreg:$0x6] =	wrdreg s16  }
0xba: {  	[dreg:$0x7] =	wrdreg $0x9  }
0xbb: {  	_ =	task.clear_ibuf [dreg:s10], $0x8FFFF;
	_ =	strace $0x90000046  }
0xbc: {  	s29 =	simm.s32 $0x9;
	_ =	strace $0x80000048  }
0xbd: {  	_ =	swait.ge [sflag:s29], $0x1  }
0xbe: {  	[sflag:s29] =	ssyncadd.s32 $0xFFFFFFFF  }
0xbf: {  	_ =	strace $0x90000048  }
0xc0: {  	_ =	sfence  }
0xc1: {  	s30 =	sld [smem:$0x0];
	_ =	sdelay $0x2  }
0xc2: {  	s31 =	sshll.u32 s1, $0xD;
	s1 =	sshrl.u32 s1, $0x2  }
0xc3: {  	s3 =	sand.u32 $0x4000, s31;
	s1 =	sadd.s32 s1, s30  }
0xc4: {  	s0 =	sor.u32 s3, s0;
	s1 =	sshll.u32 s1, $0x11  }
0xc5: {  	s0 =	sor.u32 s1, s0  }
0xc6: {  	s0 =	sadd.s32 $0x8F2B, s0  }
0xc7: {  	[sflag:s0] =	ssyncadd.remote.s32 $0x1  }
0xc8: {  	_ =	sfence.sel $0xFFFF  }
0xc9: {  	[dreg:$0x0] =	wrdreg $0xFFFFFFFF;
	(pc) =	sbr.abs _section_cstart, $3  }
0xca: {  	[dreg:$0x1] =	wrdreg $0xFFFFFFFF  }
0xcb: {  	_ =	task.clear_ibuf [dreg:s10], $0x2FFFF;
	_ =	strace $0x9FFFFFFF  }
0xcc: {  	(tm) =	ssettm $0x7FFFFFFF  }
0xcd: {  	_ =	shalt  }
tec
execute0_lowered:
.L_overlay_start_1:
0x0: {  	(tag) =	ssettag $0x1  }
0x1: {  	s8 =	rddreg [dreg:$0x0]  }
0x2: {  	s1 =	rddreg [dreg:$0x1]  }
0x3: {  	s2 =	rddreg [dreg:$0x2]  }
0x4: {  	s3 =	rddreg [dreg:$0x3]  }
0x5: {  	s4 =	rddreg [dreg:$0x4]  }
0x6: {  	s0 =	rddreg [dreg:$0x5]  }
0x7: {  	s5 =	simm.s32 $0x0;
	s6 =	srdreg.scid;
	s12 =	simm.s32 $0x2  }
0x8: {  	s13 =	simm.s32 $0x71C0;
	s14 =	simm.s32 $0x71E0;
	s15 =	simm.s32 $0x70  }
0x9: {  	v0 =	vlaneseq.u32;
	s16 =	simm.s32 $0x380;
	s17 =	simm.s32 $0x460;
	s18 =	simm.s32 $0x3F0  }
0xa: {  	s19 =	simm.s32 $0x2E60;
	s20 =	simm.s32 $0x1;
	s21 =	simm.s32 $0x60;
	v13 =	vmul.u32 $0x4, v0  }
0xb: {  	s22 =	simm.s32 $0x80;
	s23 =	simm.s32 $0x20;
	s24 =	simm.s32 $0x5860  }
0xc: {  	s25 =	simm.s32 $0x0;
	[smem:$0x7FF] =	sst s5;
	s9 =	sand.u32 $0x1, s6;
	v0 =	vor.u32 $0x3, v13;
	v1 =	vor.u32 $0x43, v13  }
0xd: {  	s7 =	sadd.s32 $0xE00, s8;
	s6 =	stileid.u32;
	s10 =	ssub.s32 $0x2, s9;
	v2 =	vor.u32 $0x83, v13;
	v3 =	vor.u32 $0xC3, v13;
	v4 =	vor.u32 $0x103, v13  }
0xe: {  	s8 =	sadd.s32 $0x19E00, s8;
	_ =	strace $0x80000047;
	s11 =	sshrl.u32 s10, $0x1;
	v5 =	vor.u32 $0x143, v13;
	v6 =	vor.u32 $0x183, v13;
	v7 =	vor.u32 $0x1C3, v13  }
0xf: {  	s31 =	sshll.u32 s6, $0x6;
	s9 =	sshll.u32 s9, $0x5;
	v8 =	vor.u32 $0x203, v13;
	v9 =	vor.u32 $0x243, v13;
	v10 =	vor.u32 $0x283, v13;
	s10 =	ssub.s32 s10, s11  }
0x10: {  	s9 =	sor.u32 s9, s31;
	v11 =	vor.u32 $0x2C3, v13;
	v12 =	vor.u32 $0x303, v13;
	v13 =	vor.u32 $0x343, v13;
	s11 =	simm.s32 $0x7160;
	s10 =	smax.u32 s10, $0x1  }
.LBB2_1:
0x11: {  	[tilespmem:s11], [sflag:$0x2] =	stream.linear.gather [hbm4b:s1+s5], $0x60, $0x38;
	[tilespmem:$0x7260] =	vst v63  }
0x12: {  	_ =	swait.ge [sflag:s12], $0x60  }
0x13: {  	[sflag:s12] =	ssyncset.done $0x0  }
0x14: {  	[sflag:s12] =	ssyncadd.s32 $0xFFFFFFA0  }
0x15: {  	[tilespmem:s13], [sflag:$0x2] =	stream.linear.gather [hbm4b:s2+s5], $0x20, $0x38;
	[tilespmem:$0x7260] =	vst v63  }
0x16: {  	_ =	swait.ge [sflag:s12], $0x20  }
0x17: {  	[sflag:s12] =	ssyncset.done $0x0  }
0x18: {  	[sflag:s12] =	ssyncadd.s32 $0xFFFFFFE0  }
0x19: {  	[tilespmem:s14], [sflag:$0x2] =	stream.linear.gather [hbm4b:s3+s5], $0x80, $0x38;
	[tilespmem:$0x7260] =	vst v63  }
0x1a: {  	_ =	swait.ge [sflag:s12], $0x80  }
0x1b: {  	[sflag:s12] =	ssyncset.done $0x0  }
0x1c: {  	[sflag:s12] =	ssyncadd.s32 $0xFFFFFF80  }
0x1d: {  	v14 =	vld [tilespmem:$0x7160]  }
0x1e: {  	v15 =	vld [tilespmem:$0x7170]  }
0x1f: {  	v16 =	vld [tilespmem:$0x7180]  }
0x20: {  	v17 =	vld [tilespmem:$0x7190]  }
0x21: {  	v18 =	vld [tilespmem:$0x71A0]  }
0x22: {  	v19 =	vld [tilespmem:$0x71B0]  }
0x23: {  	v20 =	vld [tilespmem:$0x71C0]  }
0x24: {  	s26 =	simm.s32 $0x0;
	v21 =	vld [tilespmem:$0x71D0]  }
.LBB2_2:
0x25: {  	s28 =	sadd.s32 s9, s26  }
0x26: {  	s29 =	smul.u32 $0x64, s28;
	_ =	sdelay $0x1  }
0x27: {  	s30 =	sadd.s32 s7, s29;
	s29 =	simm.s32 $0x0  }
0x28: {  	[tilespmem:s29], [sflag:$0x2] =	stream.linear.gather [hbm4b:s30+s29], $0x320, $0x38;
	[tilespmem:$0x7260] =	vst v63  }
0x29: {  	_ =	swait.ge [sflag:s12], $0x320  }
0x2a: {  	[sflag:s12] =	ssyncset.done $0x0  }
0x2b: {  	[sflag:s12] =	ssyncadd.s32 $0xFFFFFCE0  }
0x2c: {  	v22 =	vld.idx.msk [tilespmem:v0+s29+$0x0], $0xffff;
	_ =	sdelay $0x4  }
0x2d: {  	v22 =	vtrunc.f32 v22  }
0x2e: {  	v22 =	vcvt.f32.s32 v22;
	_ =	sdelay $0x1  }
0x2f: {  	vm0 =	vgt.s32 v22, $0x0  }
0x30: {  	v22 =	vnsel vm0, $0x0, v22  }
0x31: {  	v22 =	vmin.u32 v22, $0x1429  }
0x32: {  	[tilespmem:$0x380] =	vst v22  }
0x33: {  	v22 =	vld.idx.msk [tilespmem:v1+s29+$0x0], $0xffff;
	_ =	sdelay $0x4  }
0x34: {  	v22 =	vtrunc.f32 v22  }
0x35: {  	v22 =	vcvt.f32.s32 v22;
	_ =	sdelay $0x1  }
0x36: {  	vm15 =	vgt.s32 v22, $0x0  }
0x37: {  	v22 =	vnsel vm15, $0x0, v22  }
0x38: {  	v22 =	vmin.u32 v22, $0x1429  }
0x39: {  	[tilespmem:$0x390] =	vst v22  }
0x3a: {  	v22 =	vld.idx.msk [tilespmem:v2+s29+$0x0], $0xffff;
	_ =	sdelay $0x4  }
0x3b: {  	v22 =	vtrunc.f32 v22  }
0x3c: {  	v22 =	vcvt.f32.s32 v22;
	_ =	sdelay $0x1  }
0x3d: {  	vm4 =	vgt.s32 v22, $0x0  }
0x3e: {  	v22 =	vnsel vm4, $0x0, v22  }
0x3f: {  	v22 =	vmin.u32 v22, $0x1429  }
0x40: {  	[tilespmem:$0x3A0] =	vst v22  }
0x41: {  	v22 =	vld.idx.msk [tilespmem:v3+s29+$0x0], $0xffff;
	_ =	sdelay $0x4  }
0x42: {  	v22 =	vtrunc.f32 v22  }
0x43: {  	v22 =	vcvt.f32.s32 v22;
	_ =	sdelay $0x1  }
0x44: {  	vm5 =	vgt.s32 v22, $0x0  }
0x45: {  	v22 =	vnsel vm5, $0x0, v22  }
0x46: {  	v22 =	vmin.u32 v22, $0x1429  }
0x47: {  	[tilespmem:$0x3B0] =	vst v22  }
0x48: {  	v22 =	vld.idx.msk [tilespmem:v4+s29+$0x0], $0xffff;
	_ =	sdelay $0x4  }
0x49: {  	v22 =	vtrunc.f32 v22  }
0x4a: {  	v22 =	vcvt.f32.s32 v22;
	_ =	sdelay $0x1  }
0x4b: {  	vm6 =	vgt.s32 v22, $0x0  }
0x4c: {  	v22 =	vnsel vm6, $0x0, v22  }
0x4d: {  	v22 =	vmin.u32 v22, $0x1429  }
0x4e: {  	[tilespmem:$0x3C0] =	vst v22  }
0x4f: {  	v22 =	vld.idx.msk [tilespmem:v5+s29+$0x0], $0xffff;
	_ =	sdelay $0x4  }
0x50: {  	v22 =	vtrunc.f32 v22  }
0x51: {  	v22 =	vcvt.f32.s32 v22;
	_ =	sdelay $0x1  }
0x52: {  	vm7 =	vgt.s32 v22, $0x0  }
0x53: {  	v22 =	vnsel vm7, $0x0, v22  }
0x54: {  	v22 =	vmin.u32 v22, $0x1429  }
0x55: {  	[tilespmem:$0x3D0] =	vst v22  }
0x56: {  	v22 =	vld.idx.msk [tilespmem:v6+s29+$0x0], $0xffff;
	_ =	sdelay $0x4  }
0x57: {  	v22 =	vtrunc.f32 v22  }
0x58: {  	v22 =	vcvt.f32.s32 v22;
	_ =	sdelay $0x1  }
0x59: {  	vm8 =	vgt.s32 v22, $0x0  }
0x5a: {  	v22 =	vnsel vm8, $0x0, v22  }
0x5b: {  	v22 =	vmin.u32 v22, $0x1429  }
0x5c: {  	[tilespmem:$0x3E0] =	vst v22  }
0x5d: {  	v22 =	vld.idx.msk [tilespmem:v7+s29+$0x0], $0xffff;
	_ =	sdelay $0x4  }
0x5e: {  	v22 =	vtrunc.f32 v22  }
0x5f: {  	v22 =	vcvt.f32.s32 v22;
	_ =	sdelay $0x1  }
0x60: {  	vm9 =	vgt.s32 v22, $0x0  }
0x61: {  	v22 =	vnsel vm9, $0x0, v22  }
0x62: {  	v22 =	vmin.u32 v22, $0x1429  }
0x63: {  	[tilespmem:$0x3F0] =	vst v22  }
0x64: {  	v22 =	vld.idx.msk [tilespmem:v8+s29+$0x0], $0xffff;
	_ =	sdelay $0x4  }
0x65: {  	v22 =	vtrunc.f32 v22  }
0x66: {  	v22 =	vcvt.f32.s32 v22;
	_ =	sdelay $0x1  }
0x67: {  	vm10 =	vgt.s32 v22, $0x0  }
0x68: {  	v22 =	vnsel vm10, $0x0, v22  }
0x69: {  	v22 =	vmin.u32 v22, $0x1429  }
0x6a: {  	[tilespmem:$0x400] =	vst v22  }
0x6b: {  	v22 =	vld.idx.msk [tilespmem:v9+s29+$0x0], $0xffff;
	_ =	sdelay $0x4  }
0x6c: {  	v22 =	vtrunc.f32 v22  }
0x6d: {  	v22 =	vcvt.f32.s32 v22;
	_ =	sdelay $0x1  }
0x6e: {  	vm11 =	vgt.s32 v22, $0x0  }
0x6f: {  	v22 =	vnsel vm11, $0x0, v22  }
0x70: {  	v22 =	vmin.u32 v22, $0x1429  }
0x71: {  	[tilespmem:$0x410] =	vst v22  }
0x72: {  	v22 =	vld.idx.msk [tilespmem:v10+s29+$0x0], $0xffff;
	_ =	sdelay $0x4  }
0x73: {  	v22 =	vtrunc.f32 v22  }
0x74: {  	v22 =	vcvt.f32.s32 v22;
	_ =	sdelay $0x1  }
0x75: {  	vm12 =	vgt.s32 v22, $0x0  }
0x76: {  	v22 =	vnsel vm12, $0x0, v22  }
0x77: {  	v22 =	vmin.u32 v22, $0x1429  }
0x78: {  	[tilespmem:$0x420] =	vst v22  }
0x79: {  	v22 =	vld.idx.msk [tilespmem:v11+s29+$0x0], $0xffff;
	_ =	sdelay $0x4  }
0x7a: {  	v22 =	vtrunc.f32 v22  }
0x7b: {  	v22 =	vcvt.f32.s32 v22;
	_ =	sdelay $0x1  }
0x7c: {  	vm13 =	vgt.s32 v22, $0x0  }
0x7d: {  	v22 =	vnsel vm13, $0x0, v22  }
0x7e: {  	v22 =	vmin.u32 v22, $0x1429  }
0x7f: {  	[tilespmem:$0x430] =	vst v22  }
0x80: {  	v22 =	vld.idx.msk [tilespmem:v12+s29+$0x0], $0xffff;
	_ =	sdelay $0x4  }
0x81: {  	v22 =	vtrunc.f32 v22  }
0x82: {  	v22 =	vcvt.f32.s32 v22;
	_ =	sdelay $0x1  }
0x83: {  	vm14 =	vgt.s32 v22, $0x0  }
0x84: {  	v22 =	vnsel vm14, $0x0, v22  }
0x85: {  	v22 =	vmin.u32 v22, $0x1429  }
0x86: {  	[tilespmem:$0x440] =	vst v22  }
0x87: {  	v22 =	vld.idx.msk [tilespmem:v13+s29+$0x0], $0xffff;
	_ =	sdelay $0x4  }
0x88: {  	v22 =	vtrunc.f32 v22  }
0x89: {  	v22 =	vcvt.f32.s32 v22;
	_ =	sdelay $0x1  }
0x8a: {  	vm15 =	vgt.s32 v22, $0x0  }
0x8b: {  	v22 =	vnsel vm15, $0x0, v22  }
0x8c: {  	v22 =	vmin.u32 v22, $0x1429  }
0x8d: {  	[tilespmem:$0x450] =	vst v22  }
0x8e: {  	[tilespmem:s17], [sflag:$0x1] =	stream.indirect.gather [hbm4b:s8+s15], $0x60, s16, s15, $0xb8;
	[tilespmem:$0x7260] =	vst v63  }
0x8f: {  	s29 =	simm.s32 $0x0  }
0x90: {  	[tilespmem:s19], [sflag:$0x1] =	stream.indirect.gather [hbm4b:s8+s15], $0x60, s18, s15, $0xb8;
	[tilespmem:$0x7260] =	vst v63  }
0x91: {  	v22 =	vld [tilespmem:s29+$0x0];
	_ =	sdelay $0x4  }
0x92: {  	v23 =	vbroadcast v22, $0x0;
	v24 =	vbroadcast v22, $0x1  }
0x93: {  	v22 =	vbroadcast v22, $0x2  }
0x94: {  	v25 =	vmul.f32 v23, v14;
	v26 =	vmul.f32 v24, v16  }
0x95: {  	v23 =	vmul.f32 v23, v15;
	v24 =	vmul.f32 v24, v17  }
0x96: {  	v62 =	vmul.f32 v22, v18;
	v25 =	vadd.f32 v26, v25  }
0x97: {  	v22 =	vmul.f32 v22, v19;
	v23 =	vadd.f32 v24, v23  }
0x98: {  	v63 =	vadd.f32 v25, v62  }
0x99: {  	v22 =	vadd.f32 v23, v22  }
0x9a: {  	v23 =	vadd.f32 v63, v20  }
0x9b: {  	s29 =	simm.s32 $0x5870;
	v22 =	vadd.f32 v22, v21  }
0x9c: {  	[tilespmem:s29+$0xFFFFFFF0] =	vst v23  }
0x9d: {  	s31 =	simm.s32 $0x4;
	s30 =	simm.s32 $0x20;
	[tilespmem:s29+$0x0] =	vst v22  }
.LBB2_3:
0x9e: {  	p0 =	sne.s32 s30, $0xC70;
	v22 =	vld [tilespmem:s31+$0x0];
	_ =	sdelay $0x4  }
0x9f: {  	v23 =	vbroadcast v22, $0x0;
	v24 =	vbroadcast v22, $0x1  }
0xa0: {  	v22 =	vbroadcast v22, $0x2  }
0xa1: {  	v25 =	vmul.f32 v23, v14;
	v26 =	vmul.f32 v24, v16  }
0xa2: {  	v23 =	vmul.f32 v23, v15;
	v24 =	vmul.f32 v24, v17  }
0xa3: {  	v25 =	vadd.f32 v26, v25;
	v26 =	vmul.f32 v22, v18;
	v22 =	vmul.f32 v22, v19  }
0xa4: {  	v23 =	vadd.f32 v24, v23  }
0xa5: {  	v24 =	vadd.f32 v25, v26  }
.Ltmp0:
0xa6: {  	v22 =	vadd.f32 v23, v22;
	(pc) =	sbr.rel @p0 .LBB2_3-.Ltmp0, $4  }
0xa7: {  	v23 =	vadd.f32 v24, v20  }
0xa8: {  	s29 =	sadd.s32 $0x20, s29;
	v22 =	vadd.f32 v22, v21  }
0xa9: {  	[tilespmem:s29+$0xFFFFFFF0] =	vst v23  }
0xaa: {  	s31 =	sshra.s32 s30, $0x2;
	s30 =	sadd.s32 $0x10, s30;
	[tilespmem:s29+$0x0] =	vst v22  }
0xab: {  	v22 =	vld [tilespmem:s31+$0x0];
	_ =	sdelay $0x4  }
0xac: {  	v23 =	vbroadcast v22, $0x0;
	v24 =	vbroadcast v22, $0x1  }
0xad: {  	v22 =	vbroadcast v22, $0x2  }
0xae: {  	v25 =	vmul.f32 v23, v14;
	v26 =	vmul.f32 v24, v16  }
0xaf: {  	v23 =	vmul.f32 v23, v15;
	v24 =	vmul.f32 v24, v17  }
0xb0: {  	v62 =	vmul.f32 v22, v18;
	v25 =	vadd.f32 v26, v25  }
0xb1: {  	v22 =	vmul.f32 v22, v19;
	v23 =	vadd.f32 v24, v23  }
0xb2: {  	v63 =	vadd.f32 v25, v62  }
0xb3: {  	v22 =	vadd.f32 v23, v22  }
0xb4: {  	v23 =	vadd.f32 v63, v20  }
0xb5: {  	s29 =	sadd.s32 $0x20, s29;
	v22 =	vadd.f32 v22, v21  }
0xb6: {  	[tilespmem:s29+$0xFFFFFFF0] =	vst v23  }
0xb7: {  	[tilespmem:s29+$0x0] =	vst v22  }
0xb8: {  	_ =	swait.ge [sflag:s20], $0x2A00  }
0xb9: {  	[sflag:s20] =	ssyncset.done $0x0  }
0xba: {  	s28 =	smul.u32 $0x6480, s28;
	[sflag:s20] =	ssyncadd.s32 $0xFFFFD600  }
0xbb: {  	_ =	swait.ge [sflag:s20], $0x2A00  }
0xbc: {  	s28 =	sshrl.u32 s28, $0x3;
	[sflag:s20] =	ssyncset.done $0x0  }
0xbd: {  	s28 =	sadd.s32 s4, s28;
	[sflag:s20] =	ssyncadd.s32 $0xFFFFD600  }
0xbe: {  	[hbm4b:s28+s5] =	stream.linear.scatter [tilespmem:s14], [sflag:$0x2], $0x80, $0x38;
	[tilespmem:$0x7260] =	vst v63  }
0xbf: {  	_ =	swait.ge [sflag:s12], $0x80  }
0xc0: {  	[sflag:s12] =	ssyncset.done $0x0  }
0xc1: {  	s31 =	sadd.s32 $0x10, s28;
	[sflag:s12] =	ssyncadd.s32 $0xFFFFFF80  }
0xc2: {  	[hbm4b:s31+s21] =	stream.strided.scatter [tilespmem:s17], [sflag:$0x2], $0x4B00, s22, s21, $0x38;
	[tilespmem:$0x7260] =	vst v63  }
0xc3: {  	s26 =	sadd.s32 $0x1, s26;
	_ =	swait.ge [sflag:s12], $0x4B00  }
0xc4: {  	p0 =	sne.s32 s26, $0x20;
	[sflag:s12] =	ssyncset.done $0x0  }
.Ltmp1:
0xc5: {  	s28 =	sadd.s32 $0x1C, s28;
	[sflag:s12] =	ssyncadd.s32 $0xFFFFB500;
	(pc) =	sbr.rel @p0 .LBB2_2-.Ltmp1, $4  }
0xc6: {  	[hbm4b:s28+s23] =	stream.strided.scatter [tilespmem:s24], [sflag:$0x2], $0x1900, s22, s23, $0x38;
	[tilespmem:$0x7260] =	vst v63  }
0xc7: {  	_ =	swait.ge [sflag:s12], $0x1900  }
0xc8: {  	[sflag:s12] =	ssyncset.done $0x0  }
0xc9: {  	[sflag:s12] =	ssyncadd.s32 $0xFFFFE700  }
0xca: {  	s25 =	sadd.s32 $0x1, s25  }
0xcb: {  	p0 =	sne.s32 s25, s10  }
.Ltmp2:
0xcc: {  	_ = 	snop;
	(pc) =	sbr.rel @p0 .LBB2_1-.Ltmp2, $1  }
0xcd: {  	_ =	sdelay $0x3  }
0xce: {  	_ =	sfence.sel $0x180000  }
0xcf: {  	[bflag:$0x0] =	sbarrier.arrive $0xFFFF  }
0xd0: {  	p0 =	sne.s32 s6, $0x0;
	_ =	strace $0x90000047  }
0xd1: {  	s0 =	sadd.s32 @!p0 $0x100000, s0;
	[bflag:$0x2] =	sbarrier.arrive $0xFFFF  }
0xd2: {  	[sflag:s0] =	ssyncadd.tile.s32 @!p0 $0x1;
	_ =	shalt  }
.Lfunc_end2:
_tile_overlayer_lowered:
.L_overlay_start_2:
0xd3: {  	(tag) =	ssettag $0x2  }
0xd4: {  	s0 =	rddreg [dreg:$0x0];
	s2 =	stileid.u32  }
0xd5: {  	s1 =	rddreg [dreg:$0x1];
	p0 =	sne.s32 s2, $0x0  }
0xd6: {  	s3 =	rddreg [dreg:$0x2];
	[bflag:$0x3] =	sbarrier.arrive $0xFFFF;
	s2 =	simm.s32 @!p0 $0x1C02  }
0xd7: {  	[timem:s3], [sflag:s2] =	dma.local @!p0 [hbm:s0], s1  }
0xd8: {  	s0 =	simm.s32 @!p0 $0x2  }
0xd9: {  	_ =	swait.ge @!p0 [sflag:s0], s1  }
0xda: {  	s1 =	ssub.s32 @!p0 $0x0, s1;
	[sflag:s0] =	ssyncset.done @!p0 $0x0  }
0xdb: {  	[sflag:s0] =	ssyncadd.s32 @!p0 s1  }
0xdc: {  	[bflag:$0x3] =	sbarrier.arrive $0xFFFF  }
0xdd: {  	_ =	shalt  }

// kernel: sparse-core-data-format-call.cloned.1.call-start
scs
called_computation_lowered:
.L_overlay_start_0:
0x0: {  	s2 =	sld [smem:$0x3FD9]  }
0x1: {  	s3 =	sld [smem:$0x3FFE];
	_ =	sdelay $0x1  }
0x2: {  	s1 =	srdreg.scid  }
0x3: {  	s0 =	sand.u32 $0x1, s1  }
0x4: {  	s15 =	sshll.u32 s0, $0xA;
	s2 =	sadd.s32 s3, s2  }
0x5: {  	s2 =	sadd.s32 s2, s15  }
0x6: {  	[smem:$0x3FC2] =	sst s2  }
0x7: {  	_ = 	snop  }
0x8: {  	s2 =	sld [smem:$0x3FD0];
	_ =	sdelay $0x2  }
0x9: {  	s16 =	simm.s32 $0xA;
	s4 =	simm.s32 $0x10  }
0xa: {  	[smem:s4], [sflag:s16] =	dma.local [hbm:s2], $0x1  }
0xb: {  	_ =	swait.eq [sflag:s16], $0x1  }
0xc: {  	[sflag:s16] =	ssyncset.done $0x0  }
0xd: {  	[sflag:s16] =	ssyncadd.s32 $0xFFFFFFFF  }
0xe: {  	s17 =	sld [smem:$0x10];
	(tm) =	ssettm $0x1  }
0xf: {  	s18 =	sld [smem:$0x3FFB];
	_ =	sdelay $0x3  }
0x10: {  	_ =	strace s18  }
0x11: {  	s3 =	sld [smem:$0x3FFC];
	_ =	sdelay $0x3  }
0x12: {  	_ =	strace s3  }
0x13: {  	s3 =	sld [smem:$0x3FFD];
	_ =	sdelay $0x3  }
0x14: {  	_ =	strace s3  }
0x15: {  	_ =	strace $0x8FFFFFFF  }
0x16: {  	s19 =	sld [smem:$0x3FDB];
	_ =	sdelay $0x1  }
0x17: {  	s20 =	simm.s32 $_scs_section_size  }
0x18: {  	s5 =	simm.s32 $_size__tile_overlayer_lowered;
	s6 =	simm.s32 $_tile_overlayer_lowered  }
0x19: {  	s23 =	simm.s32 $0x1BFF;
	s22 =	sshll.u32 s6, $0x1;
	s3 =	sadd.s32 s20, s19  }
0x1a: {  	s7 =	simm.s32 $0x0;
	s21 =	sshll.u32 s5, $0x1;
	s5 =	sadd.s32 s22, s3  }
0x1b: {  	[timem:s7], [sflag:s23] =	dma.local [hbm:s5], s21  }
0x1c: {  	_ =	swait.ge [sflag:s23], s21  }
0x1d: {  	s4 =	ssub.s32 $0x0, s21;
	[sflag:s23] =	ssyncset.done $0x0  }
0x1e: {  	[sflag:s23] =	ssyncadd.s32 s4;
	_ =	sdelay $0x1  }
0x1f: {  	s24 =	simm.s32 $0x1B8B  }
0x20: {  	_ =	swait.ge [sflag:s24], $0x1  }
0x21: {  	[sflag:s24] =	ssyncset.done $0x0  }
0x22: {  	s26 =	simm.s32 $0x1B8E;
	s25 =	sld [smem:$0x3FFE];
	[sflag:s24] =	ssyncadd.s32 $0xFFFFFFFF  }
0x23: {  	s27 =	simm.s32 $execute0_lowered;
	[smem:$0x3FD2] =	sst s26  }
0x24: {  	s5 =	sshll.u32 s27, $0x1;
	_ =	strace $0x80000049;
	[dreg:$0x1] =	wrdreg $0xFFFFFFFF  }
0x25: {  	s28 =	simm.s32 $_size_execute0_lowered;
	s3 =	sadd.s32 s3, s5;
	[dreg:$0x0] =	wrdreg $0x0  }
0x26: {  	s5 =	sshll.u32 s28, $0x1;
	[dreg:$0x2] =	wrdreg s3  }
0x27: {  	[dreg:$0x3] =	wrdreg s5  }
0x28: {  	[dreg:$0x4] =	wrdreg $0xC0  }
0x29: {  	_ =	task [dreg:s7], $0x5FFFF  }
0x2a: {  	[dreg:$0x1] =	wrdreg $0xFFFFFFFF  }
0x2b: {  	[dreg:$0x0] =	wrdreg $0x60  }
0x2c: {  	[dreg:$0x2] =	wrdreg s25  }
0x2d: {  	[dreg:$0x3] =	wrdreg s17  }
0x2e: {  	[dreg:$0x4] =	wrdreg $0x9  }
0x2f: {  	_ =	task.clear_ibuf [dreg:s7], $0x5FFFF;
	_ =	strace $0x90000049  }
0x30: {  	s29 =	simm.s32 $0x9;
	_ =	strace $0x8000004B  }
0x31: {  	_ =	swait.ge [sflag:s29], $0x1  }
0x32: {  	[sflag:s29] =	ssyncadd.s32 $0xFFFFFFFF  }
0x33: {  	_ =	strace $0x9000004B  }
0x34: {  	_ =	sfence  }
0x35: {  	s30 =	sld [smem:$0x0];
	_ =	sdelay $0x2  }
0x36: {  	s31 =	sshll.u32 s1, $0xD;
	s1 =	sshrl.u32 s1, $0x2  }
0x37: {  	s3 =	sand.u32 $0x4000, s31;
	s1 =	sadd.s32 s1, s30  }
0x38: {  	s0 =	sor.u32 s3, s0;
	s1 =	sshll.u32 s1, $0x11  }
0x39: {  	s0 =	sor.u32 s1, s0  }
0x3a: {  	s0 =	sadd.s32 $0x8F2B, s0  }
0x3b: {  	[sflag:s0] =	ssyncadd.remote.s32 $0x1  }
0x3c: {  	_ =	sfence.sel $0xFFFF  }
0x3d: {  	[dreg:$0x0] =	wrdreg $0xFFFFFFFF;
	(pc) =	sbr.abs _section_cstart, $3  }
0x3e: {  	[dreg:$0x1] =	wrdreg $0xFFFFFFFF  }
0x3f: {  	_ =	task.clear_ibuf [dreg:s7], $0x2FFFF;
	_ =	strace $0x9FFFFFFF  }
0x40: {  	(tm) =	ssettm $0x7FFFFFFF  }
0x41: {  	_ =	shalt  }
tec
execute0_lowered:
.L_overlay_start_1:
0x0: {  	(tag) =	ssettag $0x1  }
0x1: {  	s0 =	stileid.u32  }
0x2: {  	s7 =	rddreg [dreg:$0x0];
	s1 =	srdreg.scid  }
0x3: {  	s2 =	rddreg [dreg:$0x1];
	s31 =	simm.s32 $0x2;
	s10 =	simm.s32 $0x0  }
0x4: {  	s14 =	simm.s32 $0x0;
	s3 =	sshll.u32 s0, $0x7;
	s4 =	sshll.u32 s1, $0x4  }
0x5: {  	s15 =	simm.s32 $0x0;
	s3 =	sand.u32 $0x380, s3;
	s4 =	sand.u32 $0x10, s4  }
0x6: {  	s13 =	simm.s32 $0x0;
	s5 =	ssub.s32 $0x400, s3;
	s4 =	sor.u32 s0, s4  }
0x7: {  	s1 =	rddreg [dreg:$0x2];
	s6 =	sand.u32 $0x380, s5;
	s4 =	sshrl.u32 s4, $0x3  }
0x8: {  	s8 =	sshrl.u32 s5, $0xA;
	p0 =	sne.s32 s6, $0x0;
	s6 =	simm.s32 $0x1  }
.Ltmp0:
0x9: {  	s9 =	ssub.s32 $0xCC, s4;
	s6 =	simm.s32 @!p0 $0x0;
	(pc) =	sbr.rel .LBB1_1-.Ltmp0, $4  }
0xa: {  	_ =	strace $0x8000004A;
	s30 =	sshrl.u32 s9, $0x2;
	s6 =	sadd.s32 s6, s8  }
0xb: {  	s7 =	sadd.s32 $0xE00, s7;
	s5 =	simm.s32 $0x1;
	s6 =	smul.u32 s30, s6  }
0xc: {  	s12 =	smov.u32 s3;
	[sflag:s5] =	ssyncpa.u1 $0x0;
	s11 =	smov.u32 s4  }
0xd: {  	[sflag:s31] =	ssyncpa.u1 $0x0;
	s9 =	simm.s32 $0x0;
	s8 =	sadd.s32 $0x1, s6  }
.LBB1_4:
0xe: {  	_ =	sdelay $0x3  }
0xf: {  	[tilespmem:v0+s17+$0xFFFFFFD0 ss:$0x1] =	vst.idx.msk $0xffff, v6  }
0x10: {  	v56 =	vld.idx.msk [tilespmem:v1+s18+$0x0 ss:$0x1], $0xffff;
	[tilespmem:v0+s17+$0xFFFFFFE0 ss:$0x1] =	vst.idx.msk $0xffff, v4  }
0x11: {  	v57 =	vld.idx.msk [tilespmem:v1+s18+$0xFFFFFF90 ss:$0x1], $0xffff;
	[tilespmem:v0+s17+$0xFFFFFFF0 ss:$0x1] =	vst.idx.msk $0xffff, v2  }
0x12: {  	v58 =	vld.idx.msk [tilespmem:v1+s18+$0xFFFFFFA0 ss:$0x1], $0xffff;
	[tilespmem:v0+s17+$0x0 ss:$0x1] =	vst.idx.msk $0xffff, v3  }
0x13: {  	v59 =	vld.idx.msk [tilespmem:v1+s18+$0xFFFFFFB0 ss:$0x1], $0xffff;
	[tilespmem:v0+s17+$0x10 ss:$0x1] =	vst.idx.msk $0xffff, v5  }
0x14: {  	v60 =	vld.idx.msk [tilespmem:v1+s18+$0xFFFFFFC0 ss:$0x1], $0xffff;
	[tilespmem:v0+s17+$0x20 ss:$0x1] =	vst.idx.msk $0xffff, v7  }
0x15: {  	v61 =	vld.idx.msk [tilespmem:v1+s18+$0xFFFFFFD0 ss:$0x1], $0xffff;
	[tilespmem:v0+s18+$0x30 ss:$0x1] =	vst.idx.msk $0xffff, v56  }
0x16: {  	v62 =	vld.idx.msk [tilespmem:v1+s18+$0xFFFFFFE0 ss:$0x1], $0xffff;
	[tilespmem:v0+s18+$0xFFFFFFC0 ss:$0x1] =	vst.idx.msk $0xffff, v57  }
0x17: {  	v63 =	vld.idx.msk [tilespmem:v1+s18+$0xFFFFFFF0 ss:$0x1], $0xffff;
	[tilespmem:v0+s18+$0xFFFFFFD0 ss:$0x1] =	vst.idx.msk $0xffff, v58  }
0x18: {  	[tilespmem:v0+s18+$0xFFFFFFE0 ss:$0x1] =	vst.idx.msk $0xffff, v59  }
0x19: {  	s15 =	sshll.u32 s15, $0x4;
	[tilespmem:v0+s18+$0xFFFFFFF0 ss:$0x1] =	vst.idx.msk $0xffff, v60  }
0x1a: {  	s15 =	sand.u32 $0x3FF0, s15;
	[tilespmem:v0+s18+$0x0 ss:$0x1] =	vst.idx.msk $0xffff, v61  }
0x1b: {  	s14 =	sshll.u32 s14, $0xE;
	s15 =	sadd.s32 s2, s15;
	[tilespmem:v0+s18+$0x10 ss:$0x1] =	vst.idx.msk $0xffff, v62  }
0x1c: {  	s14 =	sadd.s32 s14, s15;
	[tilespmem:v0+s18+$0x20 ss:$0x1] =	vst.idx.msk $0xffff, v63  }
0x1d: {  	[hbm4b:s14+s9] =	stream.linear.scatter [tilespmem:s16], [sflag:$0x2], $0x4000, $0x38;
	[tilespmem:$0x10000] =	vst v63  }
.LBB1_5:
0x1e: {  	s16 =	sadd.s32 $0x4, s11  }
0x1f: {  	s14 =	sadd.s32 $0x400, s12;
	s18 =	smov.u32 s12;
	p1 =	sgt.s32 s16, $0xC8  }
0x20: {  	s18 =	smov.u32 @p1 s14  }
0x21: {  	s16 =	smov.u32 @p1 s4;
	p1 =	sgt.s32 s18, $0x3FF  }
0x22: {  	s18 =	smov.u32 @p1 s3;
	p1 =	sne.s32 s13, s8  }
.Ltmp1:
0x23: {  	p0 =	slt.u32 s13, $0x2;
	(pc) =	sbr.rel @!p1 .LBB1_6-.Ltmp1, $4  }
0x24: {  	s17 =	simm.s32 @!p0 $0x2  }
0x25: {  	s15 =	smov.u32 s12;
	s10 =	sadd.s32 $0x4000, s10;
	_ =	swait.ge @!p0 [sflag:s17], $0x4000  }
0x26: {  	s14 =	smov.u32 s11;
	[sflag:s17] =	ssyncset.done @!p0 $0x0;
	s11 =	smov.u32 s16  }
0x27: {  	s13 =	sadd.s32 $0x1, s13;
	[sflag:s17] =	ssyncadd.s32 @!p0 $0xFFFFC000;
	s12 =	smov.u32 s18  }
.LBB1_1:
0x28: {  	p0 =	sge.u32 s13, s6  }
0x29: {  	s16 =	sand.u32 @!p0 $0x1FFFFFF, s11  }
0x2a: {  	s17 =	smulhi.u32 @!p0 $0x2762763, s16;
	_ =	sdelay $0x1  }
0x2b: {  	s17 =	sshrl.u32 @!p0 s17, $0x1  }
0x2c: {  	s17 =	smul.u32 @!p0 $0xD0, s17  }
0x2d: {  	s18 =	sxor.u32 @!p0 $0xFFFFFFFF, s13;
	s19 =	smul.u32 @!p0 $0xD00, s12  }
0x2e: {  	s31 =	sadd.s32 $0xFFFFFFFF, s13;
	s18 =	sshll.u32 @!p0 s18, $0xE;
	s16 =	ssub.s32 @!p0 s16, s17  }
0x2f: {  	s17 =	sand.u32 @!p0 $0x4000, s18;
	s18 =	sadd.s32 @!p0 s7, s19;
	s16 =	sshll.u32 @!p0 s16, $0x4  }
0x30: {  	s19 =	simm.s32 @!p0 $0x6800;
	s16 =	sadd.s32 @!p0 s16, s18;
	s18 =	simm.s32 @!p0 $0x80  }
0x31: {  	[tilespmem:s17], [sflag:$0x1] =	stream.strided.gather @!p0 [hbm4b:s16+s18], $0x4000, s19, s18, $0x38;
	[tilespmem:$0x10000] =	vst v63  }
0x32: {  	p0 =	sge.u32 s31, s6  }
.Ltmp2:
0x33: {  	_ = 	snop;
	(pc) =	sbr.rel @p0 .LBB1_5-.Ltmp2, $1  }
0x34: {  	_ =	sdelay $0x3  }
0x35: {  	s16 =	sand.u32 $0x4000, s10  }
0x36: {  	s17 =	sor.u32 $0x70, s16  }
0x37: {  	v1 =	vmov s17;
	_ =	sdelay $0x1  }
0x38: {  	_ =	swait.ge [sflag:s5], $0x4000  }
0x39: {  	[sflag:s5] =	ssyncset.done $0x0  }
0x3a: {  	[sflag:s5] =	ssyncadd.s32 $0xFFFFC000;
	s17 =	simm.s32 $0x0  }
0x3b: {  	s16 =	sor.u32 $0x8040, s16;
	v7 =	vld.idx.msk [tilespmem:v1+s17+$0x0 ss:$0x1], $0xffff  }
0x3c: {  	v0 =	vmov s16;
	v8 =	vld.idx.msk [tilespmem:v1+s17+$0xFFFFFF90 ss:$0x1], $0xffff  }
0x3d: {  	v6 =	vld.idx.msk [tilespmem:v1+s17+$0xFFFFFFA0 ss:$0x1], $0xffff  }
0x3e: {  	v4 =	vld.idx.msk [tilespmem:v1+s17+$0xFFFFFFB0 ss:$0x1], $0xffff  }
0x3f: {  	v2 =	vld.idx.msk [tilespmem:v1+s17+$0xFFFFFFC0 ss:$0x1], $0xffff  }
0x40: {  	s31 =	sshll.u32 s13, $0xE;
	v3 =	vld.idx.msk [tilespmem:v1+s17+$0xFFFFFFD0 ss:$0x1], $0xffff  }
0x41: {  	s16 =	sand.u32 $0x4000, s31;
	v5 =	vld.idx.msk [tilespmem:v1+s17+$0xFFFFFFE0 ss:$0x1], $0xffff;
	[tilespmem:v0+s17+$0x30 ss:$0x1] =	vst.idx.msk $0xffff, v7  }
0x42: {  	s18 =	simm.s32 $0x80;
	s19 =	simm.s32 $0x400;
	s16 =	sor.u32 $0x8000, s16;
	[tilespmem:v0+s17+$0xFFFFFFC0 ss:$0x1] =	vst.idx.msk $0xffff, v8;
	v7 =	vld.idx.msk [tilespmem:v1+s17+$0xFFFFFFF0 ss:$0x1], $0xffff  }
.LBB1_3:
0x43: {  	p0 =	sne.s32 s19, $0xFE00;
	v8 =	vld.idx.msk [tilespmem:v1+s18+$0x0 ss:$0x1], $0xffff;
	[tilespmem:v0+s17+$0xFFFFFFD0 ss:$0x1] =	vst.idx.msk $0xffff, v6  }
0x44: {  	v9 =	vld.idx.msk [tilespmem:v1+s18+$0xFFFFFF90 ss:$0x1], $0xffff;
	[tilespmem:v0+s17+$0xFFFFFFE0 ss:$0x1] =	vst.idx.msk $0xffff, v4  }
0x45: {  	v6 =	vld.idx.msk [tilespmem:v1+s18+$0xFFFFFFA0 ss:$0x1], $0xffff;
	[tilespmem:v0+s17+$0xFFFFFFF0 ss:$0x1] =	vst.idx.msk $0xffff, v2  }
.Ltmp3:
0x46: {  	v4 =	vld.idx.msk [tilespmem:v1+s18+$0xFFFFFFB0 ss:$0x1], $0xffff;
	[tilespmem:v0+s17+$0x0 ss:$0x1] =	vst.idx.msk $0xffff, v3;
	(pc) =	sbr.rel @p0 .LBB1_3-.Ltmp3, $4  }
0x47: {  	v2 =	vld.idx.msk [tilespmem:v1+s18+$0xFFFFFFC0 ss:$0x1], $0xffff;
	[tilespmem:v0+s17+$0x10 ss:$0x1] =	vst.idx.msk $0xffff, v5  }
0x48: {  	v3 =	vld.idx.msk [tilespmem:v1+s18+$0xFFFFFFD0 ss:$0x1], $0xffff;
	[tilespmem:v0+s17+$0x20 ss:$0x1] =	vst.idx.msk $0xffff, v7;
	s17 =	smov.u32 s18  }
0x49: {  	v5 =	vld.idx.msk [tilespmem:v1+s17+$0xFFFFFFE0 ss:$0x1], $0xffff;
	[tilespmem:v0+s17+$0x30 ss:$0x1] =	vst.idx.msk $0xffff, v8  }
0x4a: {  	s18 =	sshra.s32 s19, $0x2;
	s19 =	sadd.s32 $0x200, s19;
	[tilespmem:v0+s17+$0xFFFFFFC0 ss:$0x1] =	vst.idx.msk $0xffff, v9;
	v7 =	vld.idx.msk [tilespmem:v1+s17+$0xFFFFFFF0 ss:$0x1], $0xffff  }
.Ltmp4:
0x4b: {  	_ = 	snop;
	(pc) =	sbr.rel .LBB1_4-.Ltmp4, $1  }
0x4c: {  	_ =	sdelay $0x3  }
.LBB1_6:
0x4d: {  	_ =	sfence.sel $0x180000  }
0x4e: {  	s2 =	simm.s32 $0x1;
	[bflag:$0x0] =	sbarrier.arrive $0xFFFF  }
0x4f: {  	s31 =	simm.s32 $0x2;
	[sflag:s2] =	ssyncpa.u1 $0x1  }
0x50: {  	[sflag:s31] =	ssyncpa.u1 $0x1  }
0x51: {  	p0 =	sne.s32 s0, $0x0;
	_ =	strace $0x9000004A  }
0x52: {  	s0 =	sadd.s32 @!p0 $0x100000, s1;
	[bflag:$0x2] =	sbarrier.arrive $0xFFFF  }
0x53: {  	[sflag:s0] =	ssyncadd.tile.s32 @!p0 $0x1;
	_ =	shalt  }
.Lfunc_end1:
_tile_overlayer_lowered:
.L_overlay_start_2:
0x54: {  	(tag) =	ssettag $0x2  }
0x55: {  	s0 =	rddreg [dreg:$0x0];
	s2 =	stileid.u32  }
0x56: {  	s1 =	rddreg [dreg:$0x1];
	p0 =	sne.s32 s2, $0x0  }
0x57: {  	s3 =	rddreg [dreg:$0x2];
	[bflag:$0x3] =	sbarrier.arrive $0xFFFF;
	s2 =	simm.s32 @!p0 $0x1C01  }
0x58: {  	[timem:s3], [sflag:s2] =	dma.local @!p0 [hbm:s0], s1  }
0x59: {  	s0 =	simm.s32 @!p0 $0x1  }
0x5a: {  	_ =	swait.ge @!p0 [sflag:s0], s1  }
0x5b: {  	s1 =	ssub.s32 @!p0 $0x0, s1;
	[sflag:s0] =	ssyncset.done @!p0 $0x0  }
0x5c: {  	[sflag:s0] =	ssyncadd.s32 @!p0 s1  }
0x5d: {  	[bflag:$0x3] =	sbarrier.arrive $0xFFFF  }
0x5e: {  	_ =	shalt  }

</sc_bundles>
